<compile_context>
chip_gen: v7x
topology: tpu7x:2x2x1
jax: 0.10.2.dev20260603
libtpu: 0.0.44.dev20260713+nightly
codegen_flags: <defaults>
</compile_context>

<pallas_src>
import functools

import jax
import jax.numpy as jnp
from jax import lax
from jax.experimental import pallas as pl
from jax.experimental.pallas import tpu as pltpu
from jax.experimental.pallas import tpu_sc as plsc

E = 16
DIM = 1024
HID = 512
S = 2048
NEG_INF = -1e30

TB = 320
MAXB = 28
CAP = MAXB * TB
XS_ROWS = CAP + TB
TRASH = MAXB
GWC = 128

NC, NS = 2, 16
NW = NC * NS
TPW = S // NW


def _router_sort_kernel(x_ref, rw_ref, rb_ref, aux_ref, pos0_ref, pos1_ref,
                        meta_ref, w0b_ref, w1b_ref, cnts_ref):
    x = x_ref[...]
    logits = (jax.lax.dot_general(
        x, rw_ref[...], (((1,), (0,)), ((), ())),
        preferred_element_type=jnp.float32) + rb_ref[...]) * 10.0
    m = jnp.max(logits, axis=-1, keepdims=True)
    p = jnp.exp(logits - m)
    p = p / jnp.sum(p, axis=-1, keepdims=True)
    colsum = jnp.sum(p, axis=0)
    aux_ref[...] = (jnp.sum(colsum * colsum) / E * 1e-05).reshape(1, 1)
    lanes = jax.lax.broadcasted_iota(jnp.int32, logits.shape, 1)
    v1 = jnp.max(logits, axis=-1, keepdims=True)
    i1 = jnp.min(jnp.where(logits == v1, lanes, E), axis=-1, keepdims=True)
    masked = jnp.where(lanes == i1, NEG_INF, logits)
    v2 = jnp.max(masked, axis=-1, keepdims=True)
    i2 = jnp.min(jnp.where(masked == v2, lanes, E), axis=-1, keepdims=True)
    sw = jnp.exp(v2 - v1)
    w1c = 1.0 / (1.0 + sw)
    w2c = sw / (1.0 + sw)
    w0b_ref[...] = jnp.broadcast_to(w1c, (S, GWC))
    w1b_ref[...] = jnp.broadcast_to(w2c, (S, GWC))
    oh1 = (lanes == i1).astype(jnp.float32)
    oh2 = (lanes == i2).astype(jnp.float32)
    oh = oh1 + oh2
    CH = 512
    carry = jnp.zeros((1, E), jnp.float32)
    for c in range(S // CH):
        blk = oh[c * CH:(c + 1) * CH, :]
        r = jax.lax.broadcasted_iota(jnp.int32, (CH, CH), 0)
        col = jax.lax.broadcasted_iota(jnp.int32, (CH, CH), 1)
        tri = (r > col).astype(jnp.float32)
        cnts_ref[c * CH:(c + 1) * CH, :] = jax.lax.dot_general(
            tri, blk, (((1,), (0,)), ((), ())),
            preferred_element_type=jnp.float32) + carry
        carry = carry + jnp.sum(blk, axis=0, keepdims=True)
    counts = carry
    cnts = cnts_ref[...]
    rank1 = jnp.sum(cnts * oh1, axis=-1, keepdims=True)
    rank2 = jnp.sum(cnts * oh2, axis=-1, keepdims=True)
    nblk = jnp.floor((counts + (TB - 1)) * (1.0 / TB))
    er = jax.lax.broadcasted_iota(jnp.int32, (E, E), 0)
    ec = jax.lax.broadcasted_iota(jnp.int32, (E, E), 1)
    excl = (er < ec).astype(jnp.float32)
    poffblk = jax.lax.dot_general(nblk, excl, (((1,), (0,)), ((), ())),
                                  preferred_element_type=jnp.float32)
    poff = poffblk * float(TB)
    pos1 = jnp.sum(poff * oh1, axis=-1, keepdims=True) + rank1
    pos2 = jnp.sum(poff * oh2, axis=-1, keepdims=True) + rank2
    pos0_ref[...] = pos1.astype(jnp.int32).reshape(1, S)
    pos1_ref[...] = pos2.astype(jnp.int32).reshape(1, S)
    totalblk = jnp.sum(nblk)
    jrow = jax.lax.broadcasted_iota(jnp.int32, (1, MAXB), 1).astype(
        jnp.float32)
    pb = poffblk.reshape(E, 1)
    bexp = jnp.sum((pb <= jrow).astype(jnp.float32), axis=0,
                   keepdims=True) - 1.0
    active = jrow < totalblk
    bexp_last = jnp.max(jnp.where(active, bexp, 0.0))
    meta_ref[0:1, :] = jnp.where(active, bexp, bexp_last).astype(jnp.int32)
    meta_ref[1:2, :] = jnp.where(active, jrow,
                                 totalblk - 1.0).astype(jnp.int32)
    meta_ref[2:3, :] = jnp.where(active, jrow,
                                 float(TRASH)).astype(jnp.int32)


def _run_router_sort(xf, router_w, router_b):
    return pl.pallas_call(
        _router_sort_kernel,
        in_specs=[
            pl.BlockSpec((S, DIM), lambda: (0, 0)),
            pl.BlockSpec((DIM, E), lambda: (0, 0)),
            pl.BlockSpec((1, E), lambda: (0, 0)),
        ],
        out_specs=[
            pl.BlockSpec((1, 1), lambda: (0, 0)),
            pl.BlockSpec((1, S), lambda: (0, 0)),
            pl.BlockSpec((1, S), lambda: (0, 0)),
            pl.BlockSpec((3, MAXB), lambda: (0, 0)),
            pl.BlockSpec((S, GWC), lambda: (0, 0)),
            pl.BlockSpec((S, GWC), lambda: (0, 0)),
        ],
        out_shape=[
            jax.ShapeDtypeStruct((1, 1), jnp.float32),
            jax.ShapeDtypeStruct((1, S), jnp.int32),
            jax.ShapeDtypeStruct((1, S), jnp.int32),
            jax.ShapeDtypeStruct((3, MAXB), jnp.int32),
            jax.ShapeDtypeStruct((S, GWC), jnp.float32),
            jax.ShapeDtypeStruct((S, GWC), jnp.float32),
        ],
        scratch_shapes=[pltpu.VMEM((S, E), jnp.float32)],
    )(xf, router_w, router_b.reshape(1, E))


BH = TPW // 2


def _dispatch_body(x_hbm, pos0_hbm, pos1_hbm, xs_hbm,
                   buf0, buf1, i0a, i0b, i1a, i1b, lsem, ssem):
    wid = lax.axis_index("s") * NC + lax.axis_index("c")
    base = wid * TPW
    pltpu.sync_copy(pos0_hbm.at[0, pl.ds(base, BH)], i0a)
    pltpu.sync_copy(pos0_hbm.at[0, pl.ds(base + BH, BH)], i0b)
    pltpu.sync_copy(pos1_hbm.at[0, pl.ds(base, BH)], i1a)
    pltpu.sync_copy(pos1_hbm.at[0, pl.ds(base + BH, BH)], i1b)
    l0 = pltpu.async_copy(x_hbm.at[pl.ds(base, BH)], buf0, lsem)
    l1 = pltpu.async_copy(x_hbm.at[pl.ds(base + BH, BH)], buf1, lsem)
    l0.wait()
    c0 = pltpu.async_copy(buf0, xs_hbm.at[i0a], ssem)
    c1 = pltpu.async_copy(buf0, xs_hbm.at[i1a], ssem)
    l1.wait()
    c2 = pltpu.async_copy(buf1, xs_hbm.at[i0b], ssem)
    c3 = pltpu.async_copy(buf1, xs_hbm.at[i1b], ssem)
    c0.wait()
    c1.wait()
    c2.wait()
    c3.wait()


def _run_dispatch(xf, pos0, pos1):
    mesh = plsc.VectorSubcoreMesh(core_axis_name="c", subcore_axis_name="s")
    return pl.kernel(
        _dispatch_body,
        out_type=jax.ShapeDtypeStruct((XS_ROWS, DIM), jnp.float32),
        mesh=mesh,
        scratch_types=[
            pltpu.VMEM((BH, DIM), jnp.float32),
            pltpu.VMEM((BH, DIM), jnp.float32),
            pltpu.VMEM((BH,), jnp.int32),
            pltpu.VMEM((BH,), jnp.int32),
            pltpu.VMEM((BH,), jnp.int32),
            pltpu.VMEM((BH,), jnp.int32),
            pltpu.SemaphoreType.DMA,
            pltpu.SemaphoreType.DMA,
        ],
    )(xf, pos0, pos1)


def _expert_mlp_kernel(meta_s, xs_ref, fc1_ref,
                       fc1b_ref, fc2_ref, fc2b_ref, ys_ref):
    j = pl.program_id(0)

    @pl.when(meta_s[2, j] != TRASH)
    def _():
        xb = xs_ref[...]
        h = jax.lax.dot_general(xb, fc1_ref[0], (((1,), (0,)), ((), ())),
                                preferred_element_type=jnp.float32)
        h = h + fc1b_ref[0]
        h = h * (1.0 / (1.0 + jnp.exp(-h)))
        y = jax.lax.dot_general(h, fc2_ref[0], (((1,), (0,)), ((), ())),
                                preferred_element_type=jnp.float32)
        y = y + fc2b_ref[0]
        ys_ref[...] = y


def _run_expert_mlp(xs, fc1_w, fc1_b, fc2_w, fc2_b, meta):
    grid_spec = pltpu.PrefetchScalarGridSpec(
        num_scalar_prefetch=1,
        grid=(MAXB,),
        in_specs=[
            pl.BlockSpec((TB, DIM), lambda j, m: (m[1, j], 0)),
            pl.BlockSpec((1, DIM, HID), lambda j, m: (m[0, j], 0, 0)),
            pl.BlockSpec((1, 1, HID), lambda j, m: (m[0, j], 0, 0)),
            pl.BlockSpec((1, HID, DIM), lambda j, m: (m[0, j], 0, 0)),
            pl.BlockSpec((1, 1, DIM), lambda j, m: (m[0, j], 0, 0)),
        ],
        out_specs=pl.BlockSpec((TB, DIM), lambda j, m: (m[2, j], 0)),
    )
    return pl.pallas_call(
        _expert_mlp_kernel,
        grid_spec=grid_spec,
        out_shape=jax.ShapeDtypeStruct((XS_ROWS, DIM), jnp.float32),
        compiler_params=pltpu.CompilerParams(
            dimension_semantics=("arbitrary",)),
    )(meta, xs, fc1_w, fc1_b.reshape(E, 1, HID), fc2_w,
      fc2_b.reshape(E, 1, DIM))


QP = TPW // 4


def _combine_body(ys_hbm, pos0_hbm, pos1_hbm, w0b_hbm, w1b_hbm, out_hbm,
                  b0a, b0b, b1a, b1b, oba, obb, wb0, wb1, idx0, idx1,
                  gsem, osem):
    wid = lax.axis_index("s") * NC + lax.axis_index("c")
    base = wid * TPW
    pltpu.sync_copy(pos0_hbm.at[0, pl.ds(base, TPW)], idx0)
    pltpu.sync_copy(pos1_hbm.at[0, pl.ds(base, TPW)], idx1)
    pltpu.sync_copy(w0b_hbm.at[pl.ds(base, TPW)], wb0)
    pltpu.sync_copy(w1b_hbm.at[pl.ds(base, TPW)], wb1)
    b0s = [b0a, b0b]
    b1s = [b1a, b1b]
    obs = [oba, obb]
    gathers = []
    outcps = [None, None, None, None]

    def start_gather(q):
        gathers.append((
            pltpu.async_copy(ys_hbm.at[idx0.at[pl.ds(q * QP, QP)]],
                             b0s[q % 2], gsem),
            pltpu.async_copy(ys_hbm.at[idx1.at[pl.ds(q * QP, QP)]],
                             b1s[q % 2], gsem)))

    start_gather(0)
    for q in range(4):
        if q < 3:
            start_gather(q + 1)
        g0, g1 = gathers[q]
        g0.wait()
        g1.wait()
        if q >= 2:
            outcps[q - 2].wait()
        b0 = b0s[q % 2]
        b1 = b1s[q % 2]
        ob = obs[q % 2]

        def row(r, _):
            wv0 = wb0[q * QP + r, pl.ds(0, 16)]
            wv1 = wb1[q * QP + r, pl.ds(0, 16)]

            @plsc.parallel_loop(0, DIM // 16, unroll=8)
            def _col(c):
                off = c * 16
                ob[r, pl.ds(off, 16)] = (b0[r, pl.ds(off, 16)] * wv0
                                         + b1[r, pl.ds(off, 16)] * wv1)

            return 0

        lax.fori_loop(0, QP, row, 0)
        outcps[q] = pltpu.async_copy(
            ob, out_hbm.at[pl.ds(base + q * QP, QP)], osem)
    outcps[2].wait()
    outcps[3].wait()


def _run_combine(ys, pos0, pos1, w0b, w1b):
    mesh = plsc.VectorSubcoreMesh(core_axis_name="c", subcore_axis_name="s")
    return pl.kernel(
        _combine_body,
        out_type=jax.ShapeDtypeStruct((S, DIM), jnp.float32),
        mesh=mesh,
        scratch_types=[
            pltpu.VMEM((QP, DIM), jnp.float32),
            pltpu.VMEM((QP, DIM), jnp.float32),
            pltpu.VMEM((QP, DIM), jnp.float32),
            pltpu.VMEM((QP, DIM), jnp.float32),
            pltpu.VMEM((QP, DIM), jnp.float32),
            pltpu.VMEM((QP, DIM), jnp.float32),
            pltpu.VMEM((TPW, GWC), jnp.float32),
            pltpu.VMEM((TPW, GWC), jnp.float32),
            pltpu.VMEM((TPW,), jnp.int32),
            pltpu.VMEM((TPW,), jnp.int32),
            pltpu.SemaphoreType.DMA,
            pltpu.SemaphoreType.DMA,
        ],
    )(ys, pos0, pos1, w0b, w1b)


@jax.jit
def kernel(x, router_w, router_b, fc1_w, fc1_b, fc2_w, fc2_b):
    b, s, d = x.shape
    xf = x.reshape(-1, d)
    aux, pos0, pos1, meta, w0b, w1b = _run_router_sort(
        xf, router_w, router_b)
    xs = _run_dispatch(xf, pos0, pos1)
    ys = _run_expert_mlp(xs, fc1_w, fc1_b, fc2_w, fc2_b, meta)
    out = _run_combine(ys, pos0, pos1, w0b, w1b)
    return out.reshape(b, s, d), aux.reshape(())

# --- scband reference (transcript-rebuilt; emitter-appended) ---
"""Pipeline reference for scband-mi-mo-v2-flash-2164663517574 (READ-ONLY COPY).

The authoritative reference and input builder live on the scoring server;
editing this copy changes nothing except your own understanding.
"""

import jax, jax.numpy as jnp
import numpy as np

E = 16
TOP_K = 2
DIM = 1024
HID = 512
B = 1
S = 2048

def setup_inputs(seed: int = 0) -> dict:
    key = jax.random.key(seed)
    ks = jax.random.split(key, 8)
    x = jax.random.normal(ks[0], (B, S, DIM), dtype=jnp.float32)
    router_w = jax.random.normal(ks[1], (DIM, E), dtype=jnp.float32) * 0.02
    router_b = jnp.zeros((E,), dtype=jnp.float32)
    fc1_w = jax.random.normal(ks[2], (E, DIM, HID), dtype=jnp.float32) * 0.02
    fc1_b = jnp.zeros((E, HID), dtype=jnp.float32)
    fc2_w = jax.random.normal(ks[3], (E, HID, DIM), dtype=jnp.float32) * 0.02
    fc2_b = jnp.zeros((E, DIM), dtype=jnp.float32)
    return {"x": x, "router_w": router_w, "router_b": router_b,
            "fc1_w": fc1_w, "fc1_b": fc1_b, "fc2_w": fc2_w, "fc2_b": fc2_b}

def reference(x, router_w, router_b, fc1_w, fc1_b, fc2_w, fc2_b):
    b, s, d = x.shape
    xf = x.reshape(-1, d)
    # router with temperature 0.1
    logits = (xf @ router_w + router_b) / 0.1
    topv, topi = jax.lax.top_k(logits, TOP_K)
    topw = jax.nn.softmax(topv, axis=-1)
    probs = jax.nn.softmax(logits, axis=-1)
    aux = jnp.sum(jnp.sum(probs, axis=0) ** 2) / E * 1e-05
    # dense gate: gate[n, e] = sum_k topw[n, k] * [topi[n, k] == e]
    gate = jnp.sum(jax.nn.one_hot(topi, E, dtype=xf.dtype) * topw[..., None], axis=1)
    out = jnp.zeros_like(xf)
    for e in range(E):
        h = jax.nn.silu(xf @ fc1_w[e] + fc1_b[e])
        y = h @ fc2_w[e] + fc2_b[e]
        out = out + gate[:, e:e + 1] * y
    return out.reshape(b, s, d), aux

if __name__ == "__main__":
    import jax
    _d = setup_inputs()
    print(jax.jit(kernel)(*tuple(_d.values())))

</pallas_src>

<mosaic_0001>
#map = affine_map<(d0, d1) -> (0, 0)>
module attributes {stable_mosaic.version = 14 : i64} {
  func.func @_combine_body(%arg0: i32, %arg1: i32, %arg2: memref<9280x1024xf32, #tpu.memory_space<hbm>>, %arg3: memref<1x2048xi32, #tpu.memory_space<hbm>>, %arg4: memref<1x2048xi32, #tpu.memory_space<hbm>>, %arg5: memref<2048x128xf32, #tpu.memory_space<hbm>>, %arg6: memref<2048x128xf32, #tpu.memory_space<hbm>>, %arg7: memref<2048x1024xf32, #tpu.memory_space<hbm>>, %arg8: memref<16x1024xf32, #tpu.memory_space<vmem>>, %arg9: memref<16x1024xf32, #tpu.memory_space<vmem>>, %arg10: memref<16x1024xf32, #tpu.memory_space<vmem>>, %arg11: memref<16x1024xf32, #tpu.memory_space<vmem>>, %arg12: memref<16x1024xf32, #tpu.memory_space<vmem>>, %arg13: memref<16x1024xf32, #tpu.memory_space<vmem>>, %arg14: memref<64x128xf32, #tpu.memory_space<vmem>>, %arg15: memref<64x128xf32, #tpu.memory_space<vmem>>, %arg16: memref<64xi32, #tpu.memory_space<vmem>>, %arg17: memref<64xi32, #tpu.memory_space<vmem>>, %arg18: memref<!tpu.dma_semaphore, #tpu.memory_space<semaphore_mem>>, %arg19: memref<!tpu.dma_semaphore, #tpu.memory_space<semaphore_mem>>) attributes {dimension_semantics = [#tpu.dimension_semantics<core_parallel>, #tpu.dimension_semantics<subcore_parallel>], iteration_bounds = array<i64: 2, 16>, scalar_prefetch = 0 : i64, scratch_operands = 12 : i64, tpu.core_type = #tpu.core_type<sc_vector_subcore>, window_params = [{transform_indices = #map}, {transform_indices = #map}, {transform_indices = #map}, {transform_indices = #map}, {transform_indices = #map}, {transform_indices = #map}]} {
    %mul3A = arith.constant 2 : i32
    %mul3A_0 = arith.muli %arg1, %mul3A : i32
    %add3A = arith.addi %mul3A_0, %arg0 : i32
    %mul3A_1 = arith.constant 64 : i32
    %mul3A_2 = arith.muli %add3A, %mul3A_1 : i32
    %run_scoped3A = arith.constant 0 : i32
    "tpu.region"() ({
      %run_scoped3A_149 = tpu.sem_alloc : memref<!tpu.dma_semaphore, #tpu.memory_space<semaphore_mem>>
      %dma_start3A_150 = tpu.memref_slice %arg3[%run_scoped3A, %mul3A_2] : memref<1x2048xi32, #tpu.memory_space<hbm>> -> memref<1x64xi32, #tpu.memory_space<hbm>>
      %dma_start3A_151 = tpu.memref_squeeze %dma_start3A_150 : memref<1x64xi32, #tpu.memory_space<hbm>> -> memref<64xi32, #tpu.memory_space<hbm>>
      %dma_start3A_152 = tpu.memref_slice %arg3[%run_scoped3A, %mul3A_2] : memref<1x2048xi32, #tpu.memory_space<hbm>> -> memref<1x64xi32, #tpu.memory_space<hbm>>
      %dma_start3A_153 = tpu.memref_squeeze %dma_start3A_152 : memref<1x64xi32, #tpu.memory_space<hbm>> -> memref<64xi32, #tpu.memory_space<hbm>>
      tpu.enqueue_dma source(%dma_start3A_153 : memref<64xi32, #tpu.memory_space<hbm>>) target(%arg16 : memref<64xi32, #tpu.memory_space<vmem>>) target_semaphore(%run_scoped3A_149 : memref<!tpu.dma_semaphore, #tpu.memory_space<semaphore_mem>>)
      %dma_wait3A_154 = tpu.memref_slice %arg3[%run_scoped3A, %mul3A_2] : memref<1x2048xi32, #tpu.memory_space<hbm>> -> memref<1x64xi32, #tpu.memory_space<hbm>>
      %dma_wait3A_155 = tpu.memref_squeeze %dma_wait3A_154 : memref<1x64xi32, #tpu.memory_space<hbm>> -> memref<64xi32, #tpu.memory_space<hbm>>
      %dma_wait3A_156 = tpu.memref_slice %arg3[%run_scoped3A, %mul3A_2] : memref<1x2048xi32, #tpu.memory_space<hbm>> -> memref<1x64xi32, #tpu.memory_space<hbm>>
      %dma_wait3A_157 = tpu.memref_squeeze %dma_wait3A_156 : memref<1x64xi32, #tpu.memory_space<hbm>> -> memref<64xi32, #tpu.memory_space<hbm>>
      tpu.wait_dma2 semaphore(%run_scoped3A_149 : memref<!tpu.dma_semaphore, #tpu.memory_space<semaphore_mem>>) src(%dma_wait3A_157 : memref<64xi32, #tpu.memory_space<hbm>>) dst(%arg16 : memref<64xi32, #tpu.memory_space<vmem>>)
      tpu.yield
    }) : () -> ()
    %run_scoped3A_3 = arith.constant 0 : i32
    "tpu.region"() ({
      %run_scoped3A_149 = tpu.sem_alloc : memref<!tpu.dma_semaphore, #tpu.memory_space<semaphore_mem>>
      %dma_start3A_150 = tpu.memref_slice %arg4[%run_scoped3A_3, %mul3A_2] : memref<1x2048xi32, #tpu.memory_space<hbm>> -> memref<1x64xi32, #tpu.memory_space<hbm>>
      %dma_start3A_151 = tpu.memref_squeeze %dma_start3A_150 : memref<1x64xi32, #tpu.memory_space<hbm>> -> memref<64xi32, #tpu.memory_space<hbm>>
      %dma_start3A_152 = tpu.memref_slice %arg4[%run_scoped3A_3, %mul3A_2] : memref<1x2048xi32, #tpu.memory_space<hbm>> -> memref<1x64xi32, #tpu.memory_space<hbm>>
      %dma_start3A_153 = tpu.memref_squeeze %dma_start3A_152 : memref<1x64xi32, #tpu.memory_space<hbm>> -> memref<64xi32, #tpu.memory_space<hbm>>
      tpu.enqueue_dma source(%dma_start3A_153 : memref<64xi32, #tpu.memory_space<hbm>>) target(%arg17 : memref<64xi32, #tpu.memory_space<vmem>>) target_semaphore(%run_scoped3A_149 : memref<!tpu.dma_semaphore, #tpu.memory_space<semaphore_mem>>)
      %dma_wait3A_154 = tpu.memref_slice %arg4[%run_scoped3A_3, %mul3A_2] : memref<1x2048xi32, #tpu.memory_space<hbm>> -> memref<1x64xi32, #tpu.memory_space<hbm>>
      %dma_wait3A_155 = tpu.memref_squeeze %dma_wait3A_154 : memref<1x64xi32, #tpu.memory_space<hbm>> -> memref<64xi32, #tpu.memory_space<hbm>>
      %dma_wait3A_156 = tpu.memref_slice %arg4[%run_scoped3A_3, %mul3A_2] : memref<1x2048xi32, #tpu.memory_space<hbm>> -> memref<1x64xi32, #tpu.memory_space<hbm>>
      %dma_wait3A_157 = tpu.memref_squeeze %dma_wait3A_156 : memref<1x64xi32, #tpu.memory_space<hbm>> -> memref<64xi32, #tpu.memory_space<hbm>>
      tpu.wait_dma2 semaphore(%run_scoped3A_149 : memref<!tpu.dma_semaphore, #tpu.memory_space<semaphore_mem>>) src(%dma_wait3A_157 : memref<64xi32, #tpu.memory_space<hbm>>) dst(%arg17 : memref<64xi32, #tpu.memory_space<vmem>>)
      tpu.yield
    }) : () -> ()
    "tpu.region"() ({
      %run_scoped3A_149 = tpu.sem_alloc : memref<!tpu.dma_semaphore, #tpu.memory_space<semaphore_mem>>
      %dma_start3A_150 = arith.constant 0 : i32
      %dma_start3A_151 = tpu.memref_slice %arg5[%mul3A_2, %dma_start3A_150] : memref<2048x128xf32, #tpu.memory_space<hbm>> -> memref<64x128xf32, #tpu.memory_space<hbm>>
      %dma_start3A_152 = arith.constant 0 : i32
      %dma_start3A_153 = tpu.memref_slice %arg5[%mul3A_2, %dma_start3A_152] : memref<2048x128xf32, #tpu.memory_space<hbm>> -> memref<64x128xf32, #tpu.memory_space<hbm>>
      tpu.enqueue_dma source(%dma_start3A_153 : memref<64x128xf32, #tpu.memory_space<hbm>>) target(%arg14 : memref<64x128xf32, #tpu.memory_space<vmem>>) target_semaphore(%run_scoped3A_149 : memref<!tpu.dma_semaphore, #tpu.memory_space<semaphore_mem>>)
      %dma_wait3A_154 = arith.constant 0 : i32
      %dma_wait3A_155 = tpu.memref_slice %arg5[%mul3A_2, %dma_wait3A_154] : memref<2048x128xf32, #tpu.memory_space<hbm>> -> memref<64x128xf32, #tpu.memory_space<hbm>>
      %dma_wait3A_156 = arith.constant 0 : i32
      %dma_wait3A_157 = tpu.memref_slice %arg5[%mul3A_2, %dma_wait3A_156] : memref<2048x128xf32, #tpu.memory_space<hbm>> -> memref<64x128xf32, #tpu.memory_space<hbm>>
      tpu.wait_dma2 semaphore(%run_scoped3A_149 : memref<!tpu.dma_semaphore, #tpu.memory_space<semaphore_mem>>) src(%dma_wait3A_157 : memref<64x128xf32, #tpu.memory_space<hbm>>) dst(%arg14 : memref<64x128xf32, #tpu.memory_space<vmem>>)
      tpu.yield
    }) : () -> ()
    "tpu.region"() ({
      %run_scoped3A_149 = tpu.sem_alloc : memref<!tpu.dma_semaphore, #tpu.memory_space<semaphore_mem>>
      %dma_start3A_150 = arith.constant 0 : i32
      %dma_start3A_151 = tpu.memref_slice %arg6[%mul3A_2, %dma_start3A_150] : memref<2048x128xf32, #tpu.memory_space<hbm>> -> memref<64x128xf32, #tpu.memory_space<hbm>>
      %dma_start3A_152 = arith.constant 0 : i32
      %dma_start3A_153 = tpu.memref_slice %arg6[%mul3A_2, %dma_start3A_152] : memref<2048x128xf32, #tpu.memory_space<hbm>> -> memref<64x128xf32, #tpu.memory_space<hbm>>
      tpu.enqueue_dma source(%dma_start3A_153 : memref<64x128xf32, #tpu.memory_space<hbm>>) target(%arg15 : memref<64x128xf32, #tpu.memory_space<vmem>>) target_semaphore(%run_scoped3A_149 : memref<!tpu.dma_semaphore, #tpu.memory_space<semaphore_mem>>)
      %dma_wait3A_154 = arith.constant 0 : i32
      %dma_wait3A_155 = tpu.memref_slice %arg6[%mul3A_2, %dma_wait3A_154] : memref<2048x128xf32, #tpu.memory_space<hbm>> -> memref<64x128xf32, #tpu.memory_space<hbm>>
      %dma_wait3A_156 = arith.constant 0 : i32
      %dma_wait3A_157 = tpu.memref_slice %arg6[%mul3A_2, %dma_wait3A_156] : memref<2048x128xf32, #tpu.memory_space<hbm>> -> memref<64x128xf32, #tpu.memory_space<hbm>>
      tpu.wait_dma2 semaphore(%run_scoped3A_149 : memref<!tpu.dma_semaphore, #tpu.memory_space<semaphore_mem>>) src(%dma_wait3A_157 : memref<64x128xf32, #tpu.memory_space<hbm>>) dst(%arg15 : memref<64x128xf32, #tpu.memory_space<vmem>>)
      tpu.yield
    }) : () -> ()
    %dma_start3A = arith.constant 0 : i32
    %dma_start3A_4 = tpu.memref_slice %arg16[%dma_start3A] : memref<64xi32, #tpu.memory_space<vmem>> -> memref<16xi32, #tpu.memory_space<vmem>>
    %dma_start3A_5 = arith.constant 0 : i32
    %dma_start3A_6 = arith.constant 0 : i32
    %dma_start3A_7 = tpu.memref_slice %arg2[%dma_start3A_5, %dma_start3A_6] : memref<9280x1024xf32, #tpu.memory_space<hbm>> -> memref<9280x1024xf32, #tpu.memory_space<hbm>>
    tpu.enqueue_indirect_dma source(%dma_start3A_7 : memref<9280x1024xf32, #tpu.memory_space<hbm>>) target(%arg8 : memref<16x1024xf32, #tpu.memory_space<vmem>>) offsets(%dma_start3A_4 : memref<16xi32, #tpu.memory_space<vmem>>) semaphore(%arg18 : memref<!tpu.dma_semaphore, #tpu.memory_space<semaphore_mem>>)
    %dma_start3A_8 = arith.constant 0 : i32
    %dma_start3A_9 = tpu.memref_slice %arg17[%dma_start3A_8] : memref<64xi32, #tpu.memory_space<vmem>> -> memref<16xi32, #tpu.memory_space<vmem>>
    %dma_start3A_10 = arith.constant 0 : i32
    %dma_start3A_11 = arith.constant 0 : i32
    %dma_start3A_12 = tpu.memref_slice %arg2[%dma_start3A_10, %dma_start3A_11] : memref<9280x1024xf32, #tpu.memory_space<hbm>> -> memref<9280x1024xf32, #tpu.memory_space<hbm>>
    tpu.enqueue_indirect_dma source(%dma_start3A_12 : memref<9280x1024xf32, #tpu.memory_space<hbm>>) target(%arg10 : memref<16x1024xf32, #tpu.memory_space<vmem>>) offsets(%dma_start3A_9 : memref<16xi32, #tpu.memory_space<vmem>>) semaphore(%arg18 : memref<!tpu.dma_semaphore, #tpu.memory_space<semaphore_mem>>)
    %dma_start3A_13 = arith.constant 16 : i32
    %dma_start3A_14 = tpu.memref_slice %arg16[%dma_start3A_13] : memref<64xi32, #tpu.memory_space<vmem>> -> memref<16xi32, #tpu.memory_space<vmem>>
    %dma_start3A_15 = arith.constant 0 : i32
    %dma_start3A_16 = arith.constant 0 : i32
    %dma_start3A_17 = tpu.memref_slice %arg2[%dma_start3A_15, %dma_start3A_16] : memref<9280x1024xf32, #tpu.memory_space<hbm>> -> memref<9280x1024xf32, #tpu.memory_space<hbm>>
    tpu.enqueue_indirect_dma source(%dma_start3A_17 : memref<9280x1024xf32, #tpu.memory_space<hbm>>) target(%arg9 : memref<16x1024xf32, #tpu.memory_space<vmem>>) offsets(%dma_start3A_14 : memref<16xi32, #tpu.memory_space<vmem>>) semaphore(%arg18 : memref<!tpu.dma_semaphore, #tpu.memory_space<semaphore_mem>>)
    %dma_start3A_18 = arith.constant 16 : i32
    %dma_start3A_19 = tpu.memref_slice %arg17[%dma_start3A_18] : memref<64xi32, #tpu.memory_space<vmem>> -> memref<16xi32, #tpu.memory_space<vmem>>
    %dma_start3A_20 = arith.constant 0 : i32
    %dma_start3A_21 = arith.constant 0 : i32
    %dma_start3A_22 = tpu.memref_slice %arg2[%dma_start3A_20, %dma_start3A_21] : memref<9280x1024xf32, #tpu.memory_space<hbm>> -> memref<9280x1024xf32, #tpu.memory_space<hbm>>
    tpu.enqueue_indirect_dma source(%dma_start3A_22 : memref<9280x1024xf32, #tpu.memory_space<hbm>>) target(%arg11 : memref<16x1024xf32, #tpu.memory_space<vmem>>) offsets(%dma_start3A_19 : memref<16xi32, #tpu.memory_space<vmem>>) semaphore(%arg18 : memref<!tpu.dma_semaphore, #tpu.memory_space<semaphore_mem>>)
    %dma_wait3A = arith.constant 0 : i32
    %dma_wait3A_23 = tpu.memref_slice %arg16[%dma_wait3A] : memref<64xi32, #tpu.memory_space<vmem>> -> memref<16xi32, #tpu.memory_space<vmem>>
    %dma_wait3A_24 = arith.constant 0 : i32
    %dma_wait3A_25 = arith.constant 0 : i32
    %dma_wait3A_26 = tpu.memref_slice %arg2[%dma_wait3A_24, %dma_wait3A_25] : memref<9280x1024xf32, #tpu.memory_space<hbm>> -> memref<9280x1024xf32, #tpu.memory_space<hbm>>
    tpu.wait_indirect_dma semaphore(%arg18 : memref<!tpu.dma_semaphore, #tpu.memory_space<semaphore_mem>>) src(%dma_wait3A_26 : memref<9280x1024xf32, #tpu.memory_space<hbm>>) dst(%arg8 : memref<16x1024xf32, #tpu.memory_space<vmem>>)
    %dma_wait3A_27 = arith.constant 0 : i32
    %dma_wait3A_28 = tpu.memref_slice %arg17[%dma_wait3A_27] : memref<64xi32, #tpu.memory_space<vmem>> -> memref<16xi32, #tpu.memory_space<vmem>>
    %dma_wait3A_29 = arith.constant 0 : i32
    %dma_wait3A_30 = arith.constant 0 : i32
    %dma_wait3A_31 = tpu.memref_slice %arg2[%dma_wait3A_29, %dma_wait3A_30] : memref<9280x1024xf32, #tpu.memory_space<hbm>> -> memref<9280x1024xf32, #tpu.memory_space<hbm>>
    tpu.wait_indirect_dma semaphore(%arg18 : memref<!tpu.dma_semaphore, #tpu.memory_space<semaphore_mem>>) src(%dma_wait3A_31 : memref<9280x1024xf32, #tpu.memory_space<hbm>>) dst(%arg10 : memref<16x1024xf32, #tpu.memory_space<vmem>>)
    %scan3A = arith.constant 0 : i32
    %scan3A_32 = arith.constant 0 : i32
    %scan3A_33 = arith.constant 16 : i32
    %scan3A_34 = arith.addi %scan3A_32, %scan3A_33 : i32
    %scan3A_35 = arith.constant 1 : i32
    %scan3A_36 = scf.for %scan3A_149 = %scan3A_32 to %scan3A_34 step %scan3A_35 iter_args(%scan3A_150 = %scan3A) -> (i32)  : i32 {
      %add3A_151 = arith.constant 0 : i32
      %add3A_152 = arith.addi %add3A_151, %scan3A_149 : i32
      %get3A = arith.index_cast %add3A_152 : i32 to index
      %get3A_153 = arith.constant 0 : index
      %get3A_154 = tpu.vector_load %arg14[%get3A, %get3A_153] {strides = array<i32>} : memref<64x128xf32, #tpu.memory_space<vmem>>, vector<1x16xf32>,
      %get3A_155 = vector.shape_cast %get3A_154 : vector<1x16xf32> to vector<16xf32>
      %add3A_156 = arith.constant 0 : i32
      %add3A_157 = arith.addi %add3A_156, %scan3A_149 : i32
      %get3A_158 = arith.index_cast %add3A_157 : i32 to index
      %get3A_159 = arith.constant 0 : index
      %get3A_160 = tpu.vector_load %arg15[%get3A_158, %get3A_159] {strides = array<i32>} : memref<64x128xf32, #tpu.memory_space<vmem>>, vector<1x16xf32>,
      %get3A_161 = vector.shape_cast %get3A_160 : vector<1x16xf32> to vector<16xf32>
      %parallel_loop3A = arith.constant 0 : i32
      %parallel_loop3A_162 = arith.constant 64 : i32
      %parallel_loop3A_163 = arith.constant 1 : i32
      scf.for %parallel_loop3A_165 = %parallel_loop3A to %parallel_loop3A_162 step %parallel_loop3A_163  : i32 {
        %parallel_loop3A_166 = arith.constant 16 : i32
        %parallel_loop3A_167 = arith.muli %parallel_loop3A_165, %parallel_loop3A_166 : i32
        %parallel_loop3A_168 = arith.index_cast %scan3A_149 : i32 to index
        %parallel_loop3A_169 = arith.index_cast %parallel_loop3A_167 : i32 to index
        %parallel_loop3A_170 = tpu.vector_load %arg8[%parallel_loop3A_168, %parallel_loop3A_169] {strides = array<i32>} : memref<16x1024xf32, #tpu.memory_space<vmem>>, vector<1x16xf32>,
        %parallel_loop3A_171 = vector.shape_cast %parallel_loop3A_170 : vector<1x16xf32> to vector<16xf32>
        %parallel_loop3A_172 = arith.mulf %parallel_loop3A_171, %get3A_155 : vector<16xf32>
        %parallel_loop3A_173 = arith.index_cast %scan3A_149 : i32 to index
        %parallel_loop3A_174 = arith.index_cast %parallel_loop3A_167 : i32 to index
        %parallel_loop3A_175 = tpu.vector_load %arg10[%parallel_loop3A_173, %parallel_loop3A_174] {strides = array<i32>} : memref<16x1024xf32, #tpu.memory_space<vmem>>, vector<1x16xf32>,
        %parallel_loop3A_176 = vector.shape_cast %parallel_loop3A_175 : vector<1x16xf32> to vector<16xf32>
        %parallel_loop3A_177 = arith.mulf %parallel_loop3A_176, %get3A_161 : vector<16xf32>
        %parallel_loop3A_178 = arith.addf %parallel_loop3A_172, %parallel_loop3A_177 : vector<16xf32>
        %parallel_loop3A_179 = arith.index_cast %scan3A_149 : i32 to index
        %parallel_loop3A_180 = arith.index_cast %parallel_loop3A_167 : i32 to index
        %parallel_loop3A_181 = tpu.vector_load %arg12[%parallel_loop3A_179, %parallel_loop3A_180] {strides = array<i32>} : memref<16x1024xf32, #tpu.memory_space<vmem>>, vector<1x16xf32>,
        %parallel_loop3A_182 = vector.shape_cast %parallel_loop3A_181 : vector<1x16xf32> to vector<16xf32>
        %parallel_loop3A_183 = vector.shape_cast %parallel_loop3A_178 : vector<16xf32> to vector<1x16xf32>
        tpu.vector_store %arg12[%parallel_loop3A_179, %parallel_loop3A_180], %parallel_loop3A_183 {strides = array<i32>} : memref<16x1024xf32, #tpu.memory_space<vmem>>, vector<1x16xf32>,
      } {sc.loop_unroll_factor = 8 : i64, sc.parallel_access}
      %scan3A_164 = arith.constant 0 : i32
      scf.yield %scan3A_164 : i32
    }
    %scan3A_37 = arith.constant 16 : i32
    %add3A_38 = arith.constant 0 : i32
    %add3A_39 = arith.addi %mul3A_2, %add3A_38 : i32
    %dma_start3A_40 = arith.constant 0 : i32
    %dma_start3A_41 = tpu.memref_slice %arg7[%add3A_39, %dma_start3A_40] : memref<2048x1024xf32, #tpu.memory_space<hbm>> -> memref<16x1024xf32, #tpu.memory_space<hbm>>
    %dma_start3A_42 = arith.constant 0 : i32
    %dma_start3A_43 = tpu.memref_slice %arg7[%add3A_39, %dma_start3A_42] : memref<2048x1024xf32, #tpu.memory_space<hbm>> -> memref<16x1024xf32, #tpu.memory_space<hbm>>
    tpu.enqueue_dma source(%arg12 : memref<16x1024xf32, #tpu.memory_space<vmem>>) target(%dma_start3A_43 : memref<16x1024xf32, #tpu.memory_space<hbm>>) target_semaphore(%arg19 : memref<!tpu.dma_semaphore, #tpu.memory_space<semaphore_mem>>)
    %dma_start3A_44 = arith.constant 32 : i32
    %dma_start3A_45 = tpu.memref_slice %arg16[%dma_start3A_44] : memref<64xi32, #tpu.memory_space<vmem>> -> memref<16xi32, #tpu.memory_space<vmem>>
    %dma_start3A_46 = arith.constant 0 : i32
    %dma_start3A_47 = arith.constant 0 : i32
    %dma_start3A_48 = tpu.memref_slice %arg2[%dma_start3A_46, %dma_start3A_47] : memref<9280x1024xf32, #tpu.memory_space<hbm>> -> memref<9280x1024xf32, #tpu.memory_space<hbm>>
    tpu.enqueue_indirect_dma source(%dma_start3A_48 : memref<9280x1024xf32, #tpu.memory_space<hbm>>) target(%arg8 : memref<16x1024xf32, #tpu.memory_space<vmem>>) offsets(%dma_start3A_45 : memref<16xi32, #tpu.memory_space<vmem>>) semaphore(%arg18 : memref<!tpu.dma_semaphore, #tpu.memory_space<semaphore_mem>>)
    %dma_start3A_49 = arith.constant 32 : i32
    %dma_start3A_50 = tpu.memref_slice %arg17[%dma_start3A_49] : memref<64xi32, #tpu.memory_space<vmem>> -> memref<16xi32, #tpu.memory_space<vmem>>
    %dma_start3A_51 = arith.constant 0 : i32
    %dma_start3A_52 = arith.constant 0 : i32
    %dma_start3A_53 = tpu.memref_slice %arg2[%dma_start3A_51, %dma_start3A_52] : memref<9280x1024xf32, #tpu.memory_space<hbm>> -> memref<9280x1024xf32, #tpu.memory_space<hbm>>
    tpu.enqueue_indirect_dma source(%dma_start3A_53 : memref<9280x1024xf32, #tpu.memory_space<hbm>>) target(%arg10 : memref<16x1024xf32, #tpu.memory_space<vmem>>) offsets(%dma_start3A_50 : memref<16xi32, #tpu.memory_space<vmem>>) semaphore(%arg18 : memref<!tpu.dma_semaphore, #tpu.memory_space<semaphore_mem>>)
    %dma_wait3A_54 = arith.constant 16 : i32
    %dma_wait3A_55 = tpu.memref_slice %arg16[%dma_wait3A_54] : memref<64xi32, #tpu.memory_space<vmem>> -> memref<16xi32, #tpu.memory_space<vmem>>
    %dma_wait3A_56 = arith.constant 0 : i32
    %dma_wait3A_57 = arith.constant 0 : i32
    %dma_wait3A_58 = tpu.memref_slice %arg2[%dma_wait3A_56, %dma_wait3A_57] : memref<9280x1024xf32, #tpu.memory_space<hbm>> -> memref<9280x1024xf32, #tpu.memory_space<hbm>>
    tpu.wait_indirect_dma semaphore(%arg18 : memref<!tpu.dma_semaphore, #tpu.memory_space<semaphore_mem>>) src(%dma_wait3A_58 : memref<9280x1024xf32, #tpu.memory_space<hbm>>) dst(%arg9 : memref<16x1024xf32, #tpu.memory_space<vmem>>)
    %dma_wait3A_59 = arith.constant 16 : i32
    %dma_wait3A_60 = tpu.memref_slice %arg17[%dma_wait3A_59] : memref<64xi32, #tpu.memory_space<vmem>> -> memref<16xi32, #tpu.memory_space<vmem>>
    %dma_wait3A_61 = arith.constant 0 : i32
    %dma_wait3A_62 = arith.constant 0 : i32
    %dma_wait3A_63 = tpu.memref_slice %arg2[%dma_wait3A_61, %dma_wait3A_62] : memref<9280x1024xf32, #tpu.memory_space<hbm>> -> memref<9280x1024xf32, #tpu.memory_space<hbm>>
    tpu.wait_indirect_dma semaphore(%arg18 : memref<!tpu.dma_semaphore, #tpu.memory_space<semaphore_mem>>) src(%dma_wait3A_63 : memref<9280x1024xf32, #tpu.memory_space<hbm>>) dst(%arg11 : memref<16x1024xf32, #tpu.memory_space<vmem>>)
    %scan3A_64 = arith.constant 0 : i32
    %scan3A_65 = arith.constant 0 : i32
    %scan3A_66 = arith.constant 16 : i32
    %scan3A_67 = arith.addi %scan3A_65, %scan3A_66 : i32
    %scan3A_68 = arith.constant 1 : i32
    %scan3A_69 = scf.for %scan3A_149 = %scan3A_65 to %scan3A_67 step %scan3A_68 iter_args(%scan3A_150 = %scan3A_64) -> (i32)  : i32 {
      %add3A_151 = arith.constant 16 : i32
      %add3A_152 = arith.addi %add3A_151, %scan3A_149 : i32
      %get3A = arith.index_cast %add3A_152 : i32 to index
      %get3A_153 = arith.constant 0 : index
      %get3A_154 = tpu.vector_load %arg14[%get3A, %get3A_153] {strides = array<i32>} : memref<64x128xf32, #tpu.memory_space<vmem>>, vector<1x16xf32>,
      %get3A_155 = vector.shape_cast %get3A_154 : vector<1x16xf32> to vector<16xf32>
      %add3A_156 = arith.constant 16 : i32
      %add3A_157 = arith.addi %add3A_156, %scan3A_149 : i32
      %get3A_158 = arith.index_cast %add3A_157 : i32 to index
      %get3A_159 = arith.constant 0 : index
      %get3A_160 = tpu.vector_load %arg15[%get3A_158, %get3A_159] {strides = array<i32>} : memref<64x128xf32, #tpu.memory_space<vmem>>, vector<1x16xf32>,
      %get3A_161 = vector.shape_cast %get3A_160 : vector<1x16xf32> to vector<16xf32>
      %parallel_loop3A = arith.constant 0 : i32
      %parallel_loop3A_162 = arith.constant 64 : i32
      %parallel_loop3A_163 = arith.constant 1 : i32
      scf.for %parallel_loop3A_165 = %parallel_loop3A to %parallel_loop3A_162 step %parallel_loop3A_163  : i32 {
        %parallel_loop3A_166 = arith.constant 16 : i32
        %parallel_loop3A_167 = arith.muli %parallel_loop3A_165, %parallel_loop3A_166 : i32
        %parallel_loop3A_168 = arith.index_cast %scan3A_149 : i32 to index
        %parallel_loop3A_169 = arith.index_cast %parallel_loop3A_167 : i32 to index
        %parallel_loop3A_170 = tpu.vector_load %arg9[%parallel_loop3A_168, %parallel_loop3A_169] {strides = array<i32>} : memref<16x1024xf32, #tpu.memory_space<vmem>>, vector<1x16xf32>,
        %parallel_loop3A_171 = vector.shape_cast %parallel_loop3A_170 : vector<1x16xf32> to vector<16xf32>
        %parallel_loop3A_172 = arith.mulf %parallel_loop3A_171, %get3A_155 : vector<16xf32>
        %parallel_loop3A_173 = arith.index_cast %scan3A_149 : i32 to index
        %parallel_loop3A_174 = arith.index_cast %parallel_loop3A_167 : i32 to index
        %parallel_loop3A_175 = tpu.vector_load %arg11[%parallel_loop3A_173, %parallel_loop3A_174] {strides = array<i32>} : memref<16x1024xf32, #tpu.memory_space<vmem>>, vector<1x16xf32>,
        %parallel_loop3A_176 = vector.shape_cast %parallel_loop3A_175 : vector<1x16xf32> to vector<16xf32>
        %parallel_loop3A_177 = arith.mulf %parallel_loop3A_176, %get3A_161 : vector<16xf32>
        %parallel_loop3A_178 = arith.addf %parallel_loop3A_172, %parallel_loop3A_177 : vector<16xf32>
        %parallel_loop3A_179 = arith.index_cast %scan3A_149 : i32 to index
        %parallel_loop3A_180 = arith.index_cast %parallel_loop3A_167 : i32 to index
        %parallel_loop3A_181 = tpu.vector_load %arg13[%parallel_loop3A_179, %parallel_loop3A_180] {strides = array<i32>} : memref<16x1024xf32, #tpu.memory_space<vmem>>, vector<1x16xf32>,
        %parallel_loop3A_182 = vector.shape_cast %parallel_loop3A_181 : vector<1x16xf32> to vector<16xf32>
        %parallel_loop3A_183 = vector.shape_cast %parallel_loop3A_178 : vector<16xf32> to vector<1x16xf32>
        tpu.vector_store %arg13[%parallel_loop3A_179, %parallel_loop3A_180], %parallel_loop3A_183 {strides = array<i32>} : memref<16x1024xf32, #tpu.memory_space<vmem>>, vector<1x16xf32>,
      } {sc.loop_unroll_factor = 8 : i64, sc.parallel_access}
      %scan3A_164 = arith.constant 0 : i32
      scf.yield %scan3A_164 : i32
    }
    %scan3A_70 = arith.constant 16 : i32
    %add3A_71 = arith.constant 16 : i32
    %add3A_72 = arith.addi %mul3A_2, %add3A_71 : i32
    %dma_start3A_73 = arith.constant 0 : i32
    %dma_start3A_74 = tpu.memref_slice %arg7[%add3A_72, %dma_start3A_73] : memref<2048x1024xf32, #tpu.memory_space<hbm>> -> memref<16x1024xf32, #tpu.memory_space<hbm>>
    %dma_start3A_75 = arith.constant 0 : i32
    %dma_start3A_76 = tpu.memref_slice %arg7[%add3A_72, %dma_start3A_75] : memref<2048x1024xf32, #tpu.memory_space<hbm>> -> memref<16x1024xf32, #tpu.memory_space<hbm>>
    tpu.enqueue_dma source(%arg13 : memref<16x1024xf32, #tpu.memory_space<vmem>>) target(%dma_start3A_76 : memref<16x1024xf32, #tpu.memory_space<hbm>>) target_semaphore(%arg19 : memref<!tpu.dma_semaphore, #tpu.memory_space<semaphore_mem>>)
    %dma_start3A_77 = arith.constant 48 : i32
    %dma_start3A_78 = tpu.memref_slice %arg16[%dma_start3A_77] : memref<64xi32, #tpu.memory_space<vmem>> -> memref<16xi32, #tpu.memory_space<vmem>>
    %dma_start3A_79 = arith.constant 0 : i32
    %dma_start3A_80 = arith.constant 0 : i32
    %dma_start3A_81 = tpu.memref_slice %arg2[%dma_start3A_79, %dma_start3A_80] : memref<9280x1024xf32, #tpu.memory_space<hbm>> -> memref<9280x1024xf32, #tpu.memory_space<hbm>>
    tpu.enqueue_indirect_dma source(%dma_start3A_81 : memref<9280x1024xf32, #tpu.memory_space<hbm>>) target(%arg9 : memref<16x1024xf32, #tpu.memory_space<vmem>>) offsets(%dma_start3A_78 : memref<16xi32, #tpu.memory_space<vmem>>) semaphore(%arg18 : memref<!tpu.dma_semaphore, #tpu.memory_space<semaphore_mem>>)
    %dma_start3A_82 = arith.constant 48 : i32
    %dma_start3A_83 = tpu.memref_slice %arg17[%dma_start3A_82] : memref<64xi32, #tpu.memory_space<vmem>> -> memref<16xi32, #tpu.memory_space<vmem>>
    %dma_start3A_84 = arith.constant 0 : i32
    %dma_start3A_85 = arith.constant 0 : i32
    %dma_start3A_86 = tpu.memref_slice %arg2[%dma_start3A_84, %dma_start3A_85] : memref<9280x1024xf32, #tpu.memory_space<hbm>> -> memref<9280x1024xf32, #tpu.memory_space<hbm>>
    tpu.enqueue_indirect_dma source(%dma_start3A_86 : memref<9280x1024xf32, #tpu.memory_space<hbm>>) target(%arg11 : memref<16x1024xf32, #tpu.memory_space<vmem>>) offsets(%dma_start3A_83 : memref<16xi32, #tpu.memory_space<vmem>>) semaphore(%arg18 : memref<!tpu.dma_semaphore, #tpu.memory_space<semaphore_mem>>)
    %dma_wait3A_87 = arith.constant 32 : i32
    %dma_wait3A_88 = tpu.memref_slice %arg16[%dma_wait3A_87] : memref<64xi32, #tpu.memory_space<vmem>> -> memref<16xi32, #tpu.memory_space<vmem>>
    %dma_wait3A_89 = arith.constant 0 : i32
    %dma_wait3A_90 = arith.constant 0 : i32
    %dma_wait3A_91 = tpu.memref_slice %arg2[%dma_wait3A_89, %dma_wait3A_90] : memref<9280x1024xf32, #tpu.memory_space<hbm>> -> memref<9280x1024xf32, #tpu.memory_space<hbm>>
    tpu.wait_indirect_dma semaphore(%arg18 : memref<!tpu.dma_semaphore, #tpu.memory_space<semaphore_mem>>) src(%dma_wait3A_91 : memref<9280x1024xf32, #tpu.memory_space<hbm>>) dst(%arg8 : memref<16x1024xf32, #tpu.memory_space<vmem>>)
    %dma_wait3A_92 = arith.constant 32 : i32
    %dma_wait3A_93 = tpu.memref_slice %arg17[%dma_wait3A_92] : memref<64xi32, #tpu.memory_space<vmem>> -> memref<16xi32, #tpu.memory_space<vmem>>
    %dma_wait3A_94 = arith.constant 0 : i32
    %dma_wait3A_95 = arith.constant 0 : i32
    %dma_wait3A_96 = tpu.memref_slice %arg2[%dma_wait3A_94, %dma_wait3A_95] : memref<9280x1024xf32, #tpu.memory_space<hbm>> -> memref<9280x1024xf32, #tpu.memory_space<hbm>>
    tpu.wait_indirect_dma semaphore(%arg18 : memref<!tpu.dma_semaphore, #tpu.memory_space<semaphore_mem>>) src(%dma_wait3A_96 : memref<9280x1024xf32, #tpu.memory_space<hbm>>) dst(%arg10 : memref<16x1024xf32, #tpu.memory_space<vmem>>)
    %dma_wait3A_97 = arith.constant 0 : i32
    %dma_wait3A_98 = tpu.memref_slice %arg7[%add3A_39, %dma_wait3A_97] : memref<2048x1024xf32, #tpu.memory_space<hbm>> -> memref<16x1024xf32, #tpu.memory_space<hbm>>
    %dma_wait3A_99 = arith.constant 0 : i32
    %dma_wait3A_100 = tpu.memref_slice %arg7[%add3A_39, %dma_wait3A_99] : memref<2048x1024xf32, #tpu.memory_space<hbm>> -> memref<16x1024xf32, #tpu.memory_space<hbm>>
    tpu.wait_dma2 semaphore(%arg19 : memref<!tpu.dma_semaphore, #tpu.memory_space<semaphore_mem>>) src(%arg12 : memref<16x1024xf32, #tpu.memory_space<vmem>>) dst(%dma_wait3A_100 : memref<16x1024xf32, #tpu.memory_space<hbm>>)
    %scan3A_101 = arith.constant 0 : i32
    %scan3A_102 = arith.constant 0 : i32
    %scan3A_103 = arith.constant 16 : i32
    %scan3A_104 = arith.addi %scan3A_102, %scan3A_103 : i32
    %scan3A_105 = arith.constant 1 : i32
    %scan3A_106 = scf.for %scan3A_149 = %scan3A_102 to %scan3A_104 step %scan3A_105 iter_args(%scan3A_150 = %scan3A_101) -> (i32)  : i32 {
      %add3A_151 = arith.constant 32 : i32
      %add3A_152 = arith.addi %add3A_151, %scan3A_149 : i32
      %get3A = arith.index_cast %add3A_152 : i32 to index
      %get3A_153 = arith.constant 0 : index
      %get3A_154 = tpu.vector_load %arg14[%get3A, %get3A_153] {strides = array<i32>} : memref<64x128xf32, #tpu.memory_space<vmem>>, vector<1x16xf32>,
      %get3A_155 = vector.shape_cast %get3A_154 : vector<1x16xf32> to vector<16xf32>
      %add3A_156 = arith.constant 32 : i32
      %add3A_157 = arith.addi %add3A_156, %scan3A_149 : i32
      %get3A_158 = arith.index_cast %add3A_157 : i32 to index
      %get3A_159 = arith.constant 0 : index
      %get3A_160 = tpu.vector_load %arg15[%get3A_158, %get3A_159] {strides = array<i32>} : memref<64x128xf32, #tpu.memory_space<vmem>>, vector<1x16xf32>,
      %get3A_161 = vector.shape_cast %get3A_160 : vector<1x16xf32> to vector<16xf32>
      %parallel_loop3A = arith.constant 0 : i32
      %parallel_loop3A_162 = arith.constant 64 : i32
      %parallel_loop3A_163 = arith.constant 1 : i32
      scf.for %parallel_loop3A_165 = %parallel_loop3A to %parallel_loop3A_162 step %parallel_loop3A_163  : i32 {
        %parallel_loop3A_166 = arith.constant 16 : i32
        %parallel_loop3A_167 = arith.muli %parallel_loop3A_165, %parallel_loop3A_166 : i32
        %parallel_loop3A_168 = arith.index_cast %scan3A_149 : i32 to index
        %parallel_loop3A_169 = arith.index_cast %parallel_loop3A_167 : i32 to index
        %parallel_loop3A_170 = tpu.vector_load %arg8[%parallel_loop3A_168, %parallel_loop3A_169] {strides = array<i32>} : memref<16x1024xf32, #tpu.memory_space<vmem>>, vector<1x16xf32>,
        %parallel_loop3A_171 = vector.shape_cast %parallel_loop3A_170 : vector<1x16xf32> to vector<16xf32>
        %parallel_loop3A_172 = arith.mulf %parallel_loop3A_171, %get3A_155 : vector<16xf32>
        %parallel_loop3A_173 = arith.index_cast %scan3A_149 : i32 to index
        %parallel_loop3A_174 = arith.index_cast %parallel_loop3A_167 : i32 to index
        %parallel_loop3A_175 = tpu.vector_load %arg10[%parallel_loop3A_173, %parallel_loop3A_174] {strides = array<i32>} : memref<16x1024xf32, #tpu.memory_space<vmem>>, vector<1x16xf32>,
        %parallel_loop3A_176 = vector.shape_cast %parallel_loop3A_175 : vector<1x16xf32> to vector<16xf32>
        %parallel_loop3A_177 = arith.mulf %parallel_loop3A_176, %get3A_161 : vector<16xf32>
        %parallel_loop3A_178 = arith.addf %parallel_loop3A_172, %parallel_loop3A_177 : vector<16xf32>
        %parallel_loop3A_179 = arith.index_cast %scan3A_149 : i32 to index
        %parallel_loop3A_180 = arith.index_cast %parallel_loop3A_167 : i32 to index
        %parallel_loop3A_181 = tpu.vector_load %arg12[%parallel_loop3A_179, %parallel_loop3A_180] {strides = array<i32>} : memref<16x1024xf32, #tpu.memory_space<vmem>>, vector<1x16xf32>,
        %parallel_loop3A_182 = vector.shape_cast %parallel_loop3A_181 : vector<1x16xf32> to vector<16xf32>
        %parallel_loop3A_183 = vector.shape_cast %parallel_loop3A_178 : vector<16xf32> to vector<1x16xf32>
        tpu.vector_store %arg12[%parallel_loop3A_179, %parallel_loop3A_180], %parallel_loop3A_183 {strides = array<i32>} : memref<16x1024xf32, #tpu.memory_space<vmem>>, vector<1x16xf32>,
      } {sc.loop_unroll_factor = 8 : i64, sc.parallel_access}
      %scan3A_164 = arith.constant 0 : i32
      scf.yield %scan3A_164 : i32
    }
    %scan3A_107 = arith.constant 16 : i32
    %add3A_108 = arith.constant 32 : i32
    %add3A_109 = arith.addi %mul3A_2, %add3A_108 : i32
    %dma_start3A_110 = arith.constant 0 : i32
    %dma_start3A_111 = tpu.memref_slice %arg7[%add3A_109, %dma_start3A_110] : memref<2048x1024xf32, #tpu.memory_space<hbm>> -> memref<16x1024xf32, #tpu.memory_space<hbm>>
    %dma_start3A_112 = arith.constant 0 : i32
    %dma_start3A_113 = tpu.memref_slice %arg7[%add3A_109, %dma_start3A_112] : memref<2048x1024xf32, #tpu.memory_space<hbm>> -> memref<16x1024xf32, #tpu.memory_space<hbm>>
    tpu.enqueue_dma source(%arg12 : memref<16x1024xf32, #tpu.memory_space<vmem>>) target(%dma_start3A_113 : memref<16x1024xf32, #tpu.memory_space<hbm>>) target_semaphore(%arg19 : memref<!tpu.dma_semaphore, #tpu.memory_space<semaphore_mem>>)
    %dma_wait3A_114 = arith.constant 48 : i32
    %dma_wait3A_115 = tpu.memref_slice %arg16[%dma_wait3A_114] : memref<64xi32, #tpu.memory_space<vmem>> -> memref<16xi32, #tpu.memory_space<vmem>>
    %dma_wait3A_116 = arith.constant 0 : i32
    %dma_wait3A_117 = arith.constant 0 : i32
    %dma_wait3A_118 = tpu.memref_slice %arg2[%dma_wait3A_116, %dma_wait3A_117] : memref<9280x1024xf32, #tpu.memory_space<hbm>> -> memref<9280x1024xf32, #tpu.memory_space<hbm>>
    tpu.wait_indirect_dma semaphore(%arg18 : memref<!tpu.dma_semaphore, #tpu.memory_space<semaphore_mem>>) src(%dma_wait3A_118 : memref<9280x1024xf32, #tpu.memory_space<hbm>>) dst(%arg9 : memref<16x1024xf32, #tpu.memory_space<vmem>>)
    %dma_wait3A_119 = arith.constant 48 : i32
    %dma_wait3A_120 = tpu.memref_slice %arg17[%dma_wait3A_119] : memref<64xi32, #tpu.memory_space<vmem>> -> memref<16xi32, #tpu.memory_space<vmem>>
    %dma_wait3A_121 = arith.constant 0 : i32
    %dma_wait3A_122 = arith.constant 0 : i32
    %dma_wait3A_123 = tpu.memref_slice %arg2[%dma_wait3A_121, %dma_wait3A_122] : memref<9280x1024xf32, #tpu.memory_space<hbm>> -> memref<9280x1024xf32, #tpu.memory_space<hbm>>
    tpu.wait_indirect_dma semaphore(%arg18 : memref<!tpu.dma_semaphore, #tpu.memory_space<semaphore_mem>>) src(%dma_wait3A_123 : memref<9280x1024xf32, #tpu.memory_space<hbm>>) dst(%arg11 : memref<16x1024xf32, #tpu.memory_space<vmem>>)
    %dma_wait3A_124 = arith.constant 0 : i32
    %dma_wait3A_125 = tpu.memref_slice %arg7[%add3A_72, %dma_wait3A_124] : memref<2048x1024xf32, #tpu.memory_space<hbm>> -> memref<16x1024xf32, #tpu.memory_space<hbm>>
    %dma_wait3A_126 = arith.constant 0 : i32
    %dma_wait3A_127 = tpu.memref_slice %arg7[%add3A_72, %dma_wait3A_126] : memref<2048x1024xf32, #tpu.memory_space<hbm>> -> memref<16x1024xf32, #tpu.memory_space<hbm>>
    tpu.wait_dma2 semaphore(%arg19 : memref<!tpu.dma_semaphore, #tpu.memory_space<semaphore_mem>>) src(%arg13 : memref<16x1024xf32, #tpu.memory_space<vmem>>) dst(%dma_wait3A_127 : memref<16x1024xf32, #tpu.memory_space<hbm>>)
    %scan3A_128 = arith.constant 0 : i32
    %scan3A_129 = arith.constant 0 : i32
    %scan3A_130 = arith.constant 16 : i32
    %scan3A_131 = arith.addi %scan3A_129, %scan3A_130 : i32
    %scan3A_132 = arith.constant 1 : i32
    %scan3A_133 = scf.for %scan3A_149 = %scan3A_129 to %scan3A_131 step %scan3A_132 iter_args(%scan3A_150 = %scan3A_128) -> (i32)  : i32 {
      %add3A_151 = arith.constant 48 : i32
      %add3A_152 = arith.addi %add3A_151, %scan3A_149 : i32
      %get3A = arith.index_cast %add3A_152 : i32 to index
      %get3A_153 = arith.constant 0 : index
      %get3A_154 = tpu.vector_load %arg14[%get3A, %get3A_153] {strides = array<i32>} : memref<64x128xf32, #tpu.memory_space<vmem>>, vector<1x16xf32>,
      %get3A_155 = vector.shape_cast %get3A_154 : vector<1x16xf32> to vector<16xf32>
      %add3A_156 = arith.constant 48 : i32
      %add3A_157 = arith.addi %add3A_156, %scan3A_149 : i32
      %get3A_158 = arith.index_cast %add3A_157 : i32 to index
      %get3A_159 = arith.constant 0 : index
      %get3A_160 = tpu.vector_load %arg15[%get3A_158, %get3A_159] {strides = array<i32>} : memref<64x128xf32, #tpu.memory_space<vmem>>, vector<1x16xf32>,
      %get3A_161 = vector.shape_cast %get3A_160 : vector<1x16xf32> to vector<16xf32>
      %parallel_loop3A = arith.constant 0 : i32
      %parallel_loop3A_162 = arith.constant 64 : i32
      %parallel_loop3A_163 = arith.constant 1 : i32
      scf.for %parallel_loop3A_165 = %parallel_loop3A to %parallel_loop3A_162 step %parallel_loop3A_163  : i32 {
        %parallel_loop3A_166 = arith.constant 16 : i32
        %parallel_loop3A_167 = arith.muli %parallel_loop3A_165, %parallel_loop3A_166 : i32
        %parallel_loop3A_168 = arith.index_cast %scan3A_149 : i32 to index
        %parallel_loop3A_169 = arith.index_cast %parallel_loop3A_167 : i32 to index
        %parallel_loop3A_170 = tpu.vector_load %arg9[%parallel_loop3A_168, %parallel_loop3A_169] {strides = array<i32>} : memref<16x1024xf32, #tpu.memory_space<vmem>>, vector<1x16xf32>,
        %parallel_loop3A_171 = vector.shape_cast %parallel_loop3A_170 : vector<1x16xf32> to vector<16xf32>
        %parallel_loop3A_172 = arith.mulf %parallel_loop3A_171, %get3A_155 : vector<16xf32>
        %parallel_loop3A_173 = arith.index_cast %scan3A_149 : i32 to index
        %parallel_loop3A_174 = arith.index_cast %parallel_loop3A_167 : i32 to index
        %parallel_loop3A_175 = tpu.vector_load %arg11[%parallel_loop3A_173, %parallel_loop3A_174] {strides = array<i32>} : memref<16x1024xf32, #tpu.memory_space<vmem>>, vector<1x16xf32>,
        %parallel_loop3A_176 = vector.shape_cast %parallel_loop3A_175 : vector<1x16xf32> to vector<16xf32>
        %parallel_loop3A_177 = arith.mulf %parallel_loop3A_176, %get3A_161 : vector<16xf32>
        %parallel_loop3A_178 = arith.addf %parallel_loop3A_172, %parallel_loop3A_177 : vector<16xf32>
        %parallel_loop3A_179 = arith.index_cast %scan3A_149 : i32 to index
        %parallel_loop3A_180 = arith.index_cast %parallel_loop3A_167 : i32 to index
        %parallel_loop3A_181 = tpu.vector_load %arg13[%parallel_loop3A_179, %parallel_loop3A_180] {strides = array<i32>} : memref<16x1024xf32, #tpu.memory_space<vmem>>, vector<1x16xf32>,
        %parallel_loop3A_182 = vector.shape_cast %parallel_loop3A_181 : vector<1x16xf32> to vector<16xf32>
        %parallel_loop3A_183 = vector.shape_cast %parallel_loop3A_178 : vector<16xf32> to vector<1x16xf32>
        tpu.vector_store %arg13[%parallel_loop3A_179, %parallel_loop3A_180], %parallel_loop3A_183 {strides = array<i32>} : memref<16x1024xf32, #tpu.memory_space<vmem>>, vector<1x16xf32>,
      } {sc.loop_unroll_factor = 8 : i64, sc.parallel_access}
      %scan3A_164 = arith.constant 0 : i32
      scf.yield %scan3A_164 : i32
    }
    %scan3A_134 = arith.constant 16 : i32
    %add3A_135 = arith.constant 48 : i32
    %add3A_136 = arith.addi %mul3A_2, %add3A_135 : i32
    %dma_start3A_137 = arith.constant 0 : i32
    %dma_start3A_138 = tpu.memref_slice %arg7[%add3A_136, %dma_start3A_137] : memref<2048x1024xf32, #tpu.memory_space<hbm>> -> memref<16x1024xf32, #tpu.memory_space<hbm>>
    %dma_start3A_139 = arith.constant 0 : i32
    %dma_start3A_140 = tpu.memref_slice %arg7[%add3A_136, %dma_start3A_139] : memref<2048x1024xf32, #tpu.memory_space<hbm>> -> memref<16x1024xf32, #tpu.memory_space<hbm>>
    tpu.enqueue_dma source(%arg13 : memref<16x1024xf32, #tpu.memory_space<vmem>>) target(%dma_start3A_140 : memref<16x1024xf32, #tpu.memory_space<hbm>>) target_semaphore(%arg19 : memref<!tpu.dma_semaphore, #tpu.memory_space<semaphore_mem>>)
    %dma_wait3A_141 = arith.constant 0 : i32
    %dma_wait3A_142 = tpu.memref_slice %arg7[%add3A_109, %dma_wait3A_141] : memref<2048x1024xf32, #tpu.memory_space<hbm>> -> memref<16x1024xf32, #tpu.memory_space<hbm>>
    %dma_wait3A_143 = arith.constant 0 : i32
    %dma_wait3A_144 = tpu.memref_slice %arg7[%add3A_109, %dma_wait3A_143] : memref<2048x1024xf32, #tpu.memory_space<hbm>> -> memref<16x1024xf32, #tpu.memory_space<hbm>>
    tpu.wait_dma2 semaphore(%arg19 : memref<!tpu.dma_semaphore, #tpu.memory_space<semaphore_mem>>) src(%arg12 : memref<16x1024xf32, #tpu.memory_space<vmem>>) dst(%dma_wait3A_144 : memref<16x1024xf32, #tpu.memory_space<hbm>>)
    %dma_wait3A_145 = arith.constant 0 : i32
    %dma_wait3A_146 = tpu.memref_slice %arg7[%add3A_136, %dma_wait3A_145] : memref<2048x1024xf32, #tpu.memory_space<hbm>> -> memref<16x1024xf32, #tpu.memory_space<hbm>>
    %dma_wait3A_147 = arith.constant 0 : i32
    %dma_wait3A_148 = tpu.memref_slice %arg7[%add3A_136, %dma_wait3A_147] : memref<2048x1024xf32, #tpu.memory_space<hbm>> -> memref<16x1024xf32, #tpu.memory_space<hbm>>
    tpu.wait_dma2 semaphore(%arg19 : memref<!tpu.dma_semaphore, #tpu.memory_space<semaphore_mem>>) src(%arg13 : memref<16x1024xf32, #tpu.memory_space<vmem>>) dst(%dma_wait3A_148 : memref<16x1024xf32, #tpu.memory_space<hbm>>)
    return
  }
}

#map = affine_map<(d0, d1) -> (0, 0)>
module attributes {stable_mosaic.version = 14 : i64} {
  func.func @_dispatch_body(%arg0: i32, %arg1: i32, %arg2: memref<2048x1024xf32, #tpu.memory_space<hbm>>, %arg3: memref<1x2048xi32, #tpu.memory_space<hbm>>, %arg4: memref<1x2048xi32, #tpu.memory_space<hbm>>, %arg5: memref<9280x1024xf32, #tpu.memory_space<hbm>>, %arg6: memref<32x1024xf32, #tpu.memory_space<vmem>>, %arg7: memref<32x1024xf32, #tpu.memory_space<vmem>>, %arg8: memref<32xi32, #tpu.memory_space<vmem>>, %arg9: memref<32xi32, #tpu.memory_space<vmem>>, %arg10: memref<32xi32, #tpu.memory_space<vmem>>, %arg11: memref<32xi32, #tpu.memory_space<vmem>>, %arg12: memref<!tpu.dma_semaphore, #tpu.memory_space<semaphore_mem>>, %arg13: memref<!tpu.dma_semaphore, #tpu.memory_space<semaphore_mem>>) attributes {dimension_semantics = [#tpu.dimension_semantics<core_parallel>, #tpu.dimension_semantics<subcore_parallel>], iteration_bounds = array<i64: 2, 16>, scalar_prefetch = 0 : i64, scratch_operands = 8 : i64, tpu.core_type = #tpu.core_type<sc_vector_subcore>, window_params = [{transform_indices = #map}, {transform_indices = #map}, {transform_indices = #map}, {transform_indices = #map}]} {
    %mul3A = arith.constant 2 : i32
    %mul3A_0 = arith.muli %arg1, %mul3A : i32
    %add3A = arith.addi %mul3A_0, %arg0 : i32
    %mul3A_1 = arith.constant 64 : i32
    %mul3A_2 = arith.muli %add3A, %mul3A_1 : i32
    %run_scoped3A = arith.constant 0 : i32
    "tpu.region"() ({
      %run_scoped3A_50 = tpu.sem_alloc : memref<!tpu.dma_semaphore, #tpu.memory_space<semaphore_mem>>
      %dma_start3A_51 = tpu.memref_slice %arg3[%run_scoped3A, %mul3A_2] : memref<1x2048xi32, #tpu.memory_space<hbm>> -> memref<1x32xi32, #tpu.memory_space<hbm>>
      %dma_start3A_52 = tpu.memref_squeeze %dma_start3A_51 : memref<1x32xi32, #tpu.memory_space<hbm>> -> memref<32xi32, #tpu.memory_space<hbm>>
      %dma_start3A_53 = tpu.memref_slice %arg3[%run_scoped3A, %mul3A_2] : memref<1x2048xi32, #tpu.memory_space<hbm>> -> memref<1x32xi32, #tpu.memory_space<hbm>>
      %dma_start3A_54 = tpu.memref_squeeze %dma_start3A_53 : memref<1x32xi32, #tpu.memory_space<hbm>> -> memref<32xi32, #tpu.memory_space<hbm>>
      tpu.enqueue_dma source(%dma_start3A_54 : memref<32xi32, #tpu.memory_space<hbm>>) target(%arg8 : memref<32xi32, #tpu.memory_space<vmem>>) target_semaphore(%run_scoped3A_50 : memref<!tpu.dma_semaphore, #tpu.memory_space<semaphore_mem>>)
      %dma_wait3A_55 = tpu.memref_slice %arg3[%run_scoped3A, %mul3A_2] : memref<1x2048xi32, #tpu.memory_space<hbm>> -> memref<1x32xi32, #tpu.memory_space<hbm>>
      %dma_wait3A_56 = tpu.memref_squeeze %dma_wait3A_55 : memref<1x32xi32, #tpu.memory_space<hbm>> -> memref<32xi32, #tpu.memory_space<hbm>>
      %dma_wait3A_57 = tpu.memref_slice %arg3[%run_scoped3A, %mul3A_2] : memref<1x2048xi32, #tpu.memory_space<hbm>> -> memref<1x32xi32, #tpu.memory_space<hbm>>
      %dma_wait3A_58 = tpu.memref_squeeze %dma_wait3A_57 : memref<1x32xi32, #tpu.memory_space<hbm>> -> memref<32xi32, #tpu.memory_space<hbm>>
      tpu.wait_dma2 semaphore(%run_scoped3A_50 : memref<!tpu.dma_semaphore, #tpu.memory_space<semaphore_mem>>) src(%dma_wait3A_58 : memref<32xi32, #tpu.memory_space<hbm>>) dst(%arg8 : memref<32xi32, #tpu.memory_space<vmem>>)
      tpu.yield
    }) : () -> ()
    %add3A_3 = arith.constant 32 : i32
    %add3A_4 = arith.addi %mul3A_2, %add3A_3 : i32
    %run_scoped3A_5 = arith.constant 0 : i32
    "tpu.region"() ({
      %run_scoped3A_50 = tpu.sem_alloc : memref<!tpu.dma_semaphore, #tpu.memory_space<semaphore_mem>>
      %dma_start3A_51 = tpu.memref_slice %arg3[%run_scoped3A_5, %add3A_4] : memref<1x2048xi32, #tpu.memory_space<hbm>> -> memref<1x32xi32, #tpu.memory_space<hbm>>
      %dma_start3A_52 = tpu.memref_squeeze %dma_start3A_51 : memref<1x32xi32, #tpu.memory_space<hbm>> -> memref<32xi32, #tpu.memory_space<hbm>>
      %dma_start3A_53 = tpu.memref_slice %arg3[%run_scoped3A_5, %add3A_4] : memref<1x2048xi32, #tpu.memory_space<hbm>> -> memref<1x32xi32, #tpu.memory_space<hbm>>
      %dma_start3A_54 = tpu.memref_squeeze %dma_start3A_53 : memref<1x32xi32, #tpu.memory_space<hbm>> -> memref<32xi32, #tpu.memory_space<hbm>>
      tpu.enqueue_dma source(%dma_start3A_54 : memref<32xi32, #tpu.memory_space<hbm>>) target(%arg9 : memref<32xi32, #tpu.memory_space<vmem>>) target_semaphore(%run_scoped3A_50 : memref<!tpu.dma_semaphore, #tpu.memory_space<semaphore_mem>>)
      %dma_wait3A_55 = tpu.memref_slice %arg3[%run_scoped3A_5, %add3A_4] : memref<1x2048xi32, #tpu.memory_space<hbm>> -> memref<1x32xi32, #tpu.memory_space<hbm>>
      %dma_wait3A_56 = tpu.memref_squeeze %dma_wait3A_55 : memref<1x32xi32, #tpu.memory_space<hbm>> -> memref<32xi32, #tpu.memory_space<hbm>>
      %dma_wait3A_57 = tpu.memref_slice %arg3[%run_scoped3A_5, %add3A_4] : memref<1x2048xi32, #tpu.memory_space<hbm>> -> memref<1x32xi32, #tpu.memory_space<hbm>>
      %dma_wait3A_58 = tpu.memref_squeeze %dma_wait3A_57 : memref<1x32xi32, #tpu.memory_space<hbm>> -> memref<32xi32, #tpu.memory_space<hbm>>
      tpu.wait_dma2 semaphore(%run_scoped3A_50 : memref<!tpu.dma_semaphore, #tpu.memory_space<semaphore_mem>>) src(%dma_wait3A_58 : memref<32xi32, #tpu.memory_space<hbm>>) dst(%arg9 : memref<32xi32, #tpu.memory_space<vmem>>)
      tpu.yield
    }) : () -> ()
    %run_scoped3A_6 = arith.constant 0 : i32
    "tpu.region"() ({
      %run_scoped3A_50 = tpu.sem_alloc : memref<!tpu.dma_semaphore, #tpu.memory_space<semaphore_mem>>
      %dma_start3A_51 = tpu.memref_slice %arg4[%run_scoped3A_6, %mul3A_2] : memref<1x2048xi32, #tpu.memory_space<hbm>> -> memref<1x32xi32, #tpu.memory_space<hbm>>
      %dma_start3A_52 = tpu.memref_squeeze %dma_start3A_51 : memref<1x32xi32, #tpu.memory_space<hbm>> -> memref<32xi32, #tpu.memory_space<hbm>>
      %dma_start3A_53 = tpu.memref_slice %arg4[%run_scoped3A_6, %mul3A_2] : memref<1x2048xi32, #tpu.memory_space<hbm>> -> memref<1x32xi32, #tpu.memory_space<hbm>>
      %dma_start3A_54 = tpu.memref_squeeze %dma_start3A_53 : memref<1x32xi32, #tpu.memory_space<hbm>> -> memref<32xi32, #tpu.memory_space<hbm>>
      tpu.enqueue_dma source(%dma_start3A_54 : memref<32xi32, #tpu.memory_space<hbm>>) target(%arg10 : memref<32xi32, #tpu.memory_space<vmem>>) target_semaphore(%run_scoped3A_50 : memref<!tpu.dma_semaphore, #tpu.memory_space<semaphore_mem>>)
      %dma_wait3A_55 = tpu.memref_slice %arg4[%run_scoped3A_6, %mul3A_2] : memref<1x2048xi32, #tpu.memory_space<hbm>> -> memref<1x32xi32, #tpu.memory_space<hbm>>
      %dma_wait3A_56 = tpu.memref_squeeze %dma_wait3A_55 : memref<1x32xi32, #tpu.memory_space<hbm>> -> memref<32xi32, #tpu.memory_space<hbm>>
      %dma_wait3A_57 = tpu.memref_slice %arg4[%run_scoped3A_6, %mul3A_2] : memref<1x2048xi32, #tpu.memory_space<hbm>> -> memref<1x32xi32, #tpu.memory_space<hbm>>
      %dma_wait3A_58 = tpu.memref_squeeze %dma_wait3A_57 : memref<1x32xi32, #tpu.memory_space<hbm>> -> memref<32xi32, #tpu.memory_space<hbm>>
      tpu.wait_dma2 semaphore(%run_scoped3A_50 : memref<!tpu.dma_semaphore, #tpu.memory_space<semaphore_mem>>) src(%dma_wait3A_58 : memref<32xi32, #tpu.memory_space<hbm>>) dst(%arg10 : memref<32xi32, #tpu.memory_space<vmem>>)
      tpu.yield
    }) : () -> ()
    %add3A_7 = arith.constant 32 : i32
    %add3A_8 = arith.addi %mul3A_2, %add3A_7 : i32
    %run_scoped3A_9 = arith.constant 0 : i32
    "tpu.region"() ({
      %run_scoped3A_50 = tpu.sem_alloc : memref<!tpu.dma_semaphore, #tpu.memory_space<semaphore_mem>>
      %dma_start3A_51 = tpu.memref_slice %arg4[%run_scoped3A_9, %add3A_8] : memref<1x2048xi32, #tpu.memory_space<hbm>> -> memref<1x32xi32, #tpu.memory_space<hbm>>
      %dma_start3A_52 = tpu.memref_squeeze %dma_start3A_51 : memref<1x32xi32, #tpu.memory_space<hbm>> -> memref<32xi32, #tpu.memory_space<hbm>>
      %dma_start3A_53 = tpu.memref_slice %arg4[%run_scoped3A_9, %add3A_8] : memref<1x2048xi32, #tpu.memory_space<hbm>> -> memref<1x32xi32, #tpu.memory_space<hbm>>
      %dma_start3A_54 = tpu.memref_squeeze %dma_start3A_53 : memref<1x32xi32, #tpu.memory_space<hbm>> -> memref<32xi32, #tpu.memory_space<hbm>>
      tpu.enqueue_dma source(%dma_start3A_54 : memref<32xi32, #tpu.memory_space<hbm>>) target(%arg11 : memref<32xi32, #tpu.memory_space<vmem>>) target_semaphore(%run_scoped3A_50 : memref<!tpu.dma_semaphore, #tpu.memory_space<semaphore_mem>>)
      %dma_wait3A_55 = tpu.memref_slice %arg4[%run_scoped3A_9, %add3A_8] : memref<1x2048xi32, #tpu.memory_space<hbm>> -> memref<1x32xi32, #tpu.memory_space<hbm>>
      %dma_wait3A_56 = tpu.memref_squeeze %dma_wait3A_55 : memref<1x32xi32, #tpu.memory_space<hbm>> -> memref<32xi32, #tpu.memory_space<hbm>>
      %dma_wait3A_57 = tpu.memref_slice %arg4[%run_scoped3A_9, %add3A_8] : memref<1x2048xi32, #tpu.memory_space<hbm>> -> memref<1x32xi32, #tpu.memory_space<hbm>>
      %dma_wait3A_58 = tpu.memref_squeeze %dma_wait3A_57 : memref<1x32xi32, #tpu.memory_space<hbm>> -> memref<32xi32, #tpu.memory_space<hbm>>
      tpu.wait_dma2 semaphore(%run_scoped3A_50 : memref<!tpu.dma_semaphore, #tpu.memory_space<semaphore_mem>>) src(%dma_wait3A_58 : memref<32xi32, #tpu.memory_space<hbm>>) dst(%arg11 : memref<32xi32, #tpu.memory_space<vmem>>)
      tpu.yield
    }) : () -> ()
    %dma_start3A = arith.constant 0 : i32
    %dma_start3A_10 = tpu.memref_slice %arg2[%mul3A_2, %dma_start3A] : memref<2048x1024xf32, #tpu.memory_space<hbm>> -> memref<32x1024xf32, #tpu.memory_space<hbm>>
    %dma_start3A_11 = arith.constant 0 : i32
    %dma_start3A_12 = tpu.memref_slice %arg2[%mul3A_2, %dma_start3A_11] : memref<2048x1024xf32, #tpu.memory_space<hbm>> -> memref<32x1024xf32, #tpu.memory_space<hbm>>
    tpu.enqueue_dma source(%dma_start3A_12 : memref<32x1024xf32, #tpu.memory_space<hbm>>) target(%arg6 : memref<32x1024xf32, #tpu.memory_space<vmem>>) target_semaphore(%arg12 : memref<!tpu.dma_semaphore, #tpu.memory_space<semaphore_mem>>)
    %add3A_13 = arith.constant 32 : i32
    %add3A_14 = arith.addi %mul3A_2, %add3A_13 : i32
    %dma_start3A_15 = arith.constant 0 : i32
    %dma_start3A_16 = tpu.memref_slice %arg2[%add3A_14, %dma_start3A_15] : memref<2048x1024xf32, #tpu.memory_space<hbm>> -> memref<32x1024xf32, #tpu.memory_space<hbm>>
    %dma_start3A_17 = arith.constant 0 : i32
    %dma_start3A_18 = tpu.memref_slice %arg2[%add3A_14, %dma_start3A_17] : memref<2048x1024xf32, #tpu.memory_space<hbm>> -> memref<32x1024xf32, #tpu.memory_space<hbm>>
    tpu.enqueue_dma source(%dma_start3A_18 : memref<32x1024xf32, #tpu.memory_space<hbm>>) target(%arg7 : memref<32x1024xf32, #tpu.memory_space<vmem>>) target_semaphore(%arg12 : memref<!tpu.dma_semaphore, #tpu.memory_space<semaphore_mem>>)
    %dma_wait3A = arith.constant 0 : i32
    %dma_wait3A_19 = tpu.memref_slice %arg2[%mul3A_2, %dma_wait3A] : memref<2048x1024xf32, #tpu.memory_space<hbm>> -> memref<32x1024xf32, #tpu.memory_space<hbm>>
    %dma_wait3A_20 = arith.constant 0 : i32
    %dma_wait3A_21 = tpu.memref_slice %arg2[%mul3A_2, %dma_wait3A_20] : memref<2048x1024xf32, #tpu.memory_space<hbm>> -> memref<32x1024xf32, #tpu.memory_space<hbm>>
    tpu.wait_dma2 semaphore(%arg12 : memref<!tpu.dma_semaphore, #tpu.memory_space<semaphore_mem>>) src(%dma_wait3A_21 : memref<32x1024xf32, #tpu.memory_space<hbm>>) dst(%arg6 : memref<32x1024xf32, #tpu.memory_space<vmem>>)
    %dma_start3A_22 = arith.constant 0 : i32
    %dma_start3A_23 = arith.constant 0 : i32
    %dma_start3A_24 = tpu.memref_slice %arg5[%dma_start3A_22, %dma_start3A_23] : memref<9280x1024xf32, #tpu.memory_space<hbm>> -> memref<9280x1024xf32, #tpu.memory_space<hbm>>
    tpu.enqueue_indirect_dma source(%arg6 : memref<32x1024xf32, #tpu.memory_space<vmem>>) target(%dma_start3A_24 : memref<9280x1024xf32, #tpu.memory_space<hbm>>) offsets(%arg8 : memref<32xi32, #tpu.memory_space<vmem>>) semaphore(%arg13 : memref<!tpu.dma_semaphore, #tpu.memory_space<semaphore_mem>>)
    %dma_start3A_25 = arith.constant 0 : i32
    %dma_start3A_26 = arith.constant 0 : i32
    %dma_start3A_27 = tpu.memref_slice %arg5[%dma_start3A_25, %dma_start3A_26] : memref<9280x1024xf32, #tpu.memory_space<hbm>> -> memref<9280x1024xf32, #tpu.memory_space<hbm>>
    tpu.enqueue_indirect_dma source(%arg6 : memref<32x1024xf32, #tpu.memory_space<vmem>>) target(%dma_start3A_27 : memref<9280x1024xf32, #tpu.memory_space<hbm>>) offsets(%arg10 : memref<32xi32, #tpu.memory_space<vmem>>) semaphore(%arg13 : memref<!tpu.dma_semaphore, #tpu.memory_space<semaphore_mem>>)
    %dma_wait3A_28 = arith.constant 0 : i32
    %dma_wait3A_29 = tpu.memref_slice %arg2[%add3A_14, %dma_wait3A_28] : memref<2048x1024xf32, #tpu.memory_space<hbm>> -> memref<32x1024xf32, #tpu.memory_space<hbm>>
    %dma_wait3A_30 = arith.constant 0 : i32
    %dma_wait3A_31 = tpu.memref_slice %arg2[%add3A_14, %dma_wait3A_30] : memref<2048x1024xf32, #tpu.memory_space<hbm>> -> memref<32x1024xf32, #tpu.memory_space<hbm>>
    tpu.wait_dma2 semaphore(%arg12 : memref<!tpu.dma_semaphore, #tpu.memory_space<semaphore_mem>>) src(%dma_wait3A_31 : memref<32x1024xf32, #tpu.memory_space<hbm>>) dst(%arg7 : memref<32x1024xf32, #tpu.memory_space<vmem>>)
    %dma_start3A_32 = arith.constant 0 : i32
    %dma_start3A_33 = arith.constant 0 : i32
    %dma_start3A_34 = tpu.memref_slice %arg5[%dma_start3A_32, %dma_start3A_33] : memref<9280x1024xf32, #tpu.memory_space<hbm>> -> memref<9280x1024xf32, #tpu.memory_space<hbm>>
    tpu.enqueue_indirect_dma source(%arg7 : memref<32x1024xf32, #tpu.memory_space<vmem>>) target(%dma_start3A_34 : memref<9280x1024xf32, #tpu.memory_space<hbm>>) offsets(%arg9 : memref<32xi32, #tpu.memory_space<vmem>>) semaphore(%arg13 : memref<!tpu.dma_semaphore, #tpu.memory_space<semaphore_mem>>)
    %dma_start3A_35 = arith.constant 0 : i32
    %dma_start3A_36 = arith.constant 0 : i32
    %dma_start3A_37 = tpu.memref_slice %arg5[%dma_start3A_35, %dma_start3A_36] : memref<9280x1024xf32, #tpu.memory_space<hbm>> -> memref<9280x1024xf32, #tpu.memory_space<hbm>>
    tpu.enqueue_indirect_dma source(%arg7 : memref<32x1024xf32, #tpu.memory_space<vmem>>) target(%dma_start3A_37 : memref<9280x1024xf32, #tpu.memory_space<hbm>>) offsets(%arg11 : memref<32xi32, #tpu.memory_space<vmem>>) semaphore(%arg13 : memref<!tpu.dma_semaphore, #tpu.memory_space<semaphore_mem>>)
    %dma_wait3A_38 = arith.constant 0 : i32
    %dma_wait3A_39 = arith.constant 0 : i32
    %dma_wait3A_40 = tpu.memref_slice %arg5[%dma_wait3A_38, %dma_wait3A_39] : memref<9280x1024xf32, #tpu.memory_space<hbm>> -> memref<9280x1024xf32, #tpu.memory_space<hbm>>
    tpu.wait_indirect_dma semaphore(%arg13 : memref<!tpu.dma_semaphore, #tpu.memory_space<semaphore_mem>>) src(%arg6 : memref<32x1024xf32, #tpu.memory_space<vmem>>) dst(%dma_wait3A_40 : memref<9280x1024xf32, #tpu.memory_space<hbm>>)
    %dma_wait3A_41 = arith.constant 0 : i32
    %dma_wait3A_42 = arith.constant 0 : i32
    %dma_wait3A_43 = tpu.memref_slice %arg5[%dma_wait3A_41, %dma_wait3A_42] : memref<9280x1024xf32, #tpu.memory_space<hbm>> -> memref<9280x1024xf32, #tpu.memory_space<hbm>>
    tpu.wait_indirect_dma semaphore(%arg13 : memref<!tpu.dma_semaphore, #tpu.memory_space<semaphore_mem>>) src(%arg6 : memref<32x1024xf32, #tpu.memory_space<vmem>>) dst(%dma_wait3A_43 : memref<9280x1024xf32, #tpu.memory_space<hbm>>)
    %dma_wait3A_44 = arith.constant 0 : i32
    %dma_wait3A_45 = arith.constant 0 : i32
    %dma_wait3A_46 = tpu.memref_slice %arg5[%dma_wait3A_44, %dma_wait3A_45] : memref<9280x1024xf32, #tpu.memory_space<hbm>> -> memref<9280x1024xf32, #tpu.memory_space<hbm>>
    tpu.wait_indirect_dma semaphore(%arg13 : memref<!tpu.dma_semaphore, #tpu.memory_space<semaphore_mem>>) src(%arg7 : memref<32x1024xf32, #tpu.memory_space<vmem>>) dst(%dma_wait3A_46 : memref<9280x1024xf32, #tpu.memory_space<hbm>>)
    %dma_wait3A_47 = arith.constant 0 : i32
    %dma_wait3A_48 = arith.constant 0 : i32
    %dma_wait3A_49 = tpu.memref_slice %arg5[%dma_wait3A_47, %dma_wait3A_48] : memref<9280x1024xf32, #tpu.memory_space<hbm>> -> memref<9280x1024xf32, #tpu.memory_space<hbm>>
    tpu.wait_indirect_dma semaphore(%arg13 : memref<!tpu.dma_semaphore, #tpu.memory_space<semaphore_mem>>) src(%arg7 : memref<32x1024xf32, #tpu.memory_space<vmem>>) dst(%dma_wait3A_49 : memref<9280x1024xf32, #tpu.memory_space<hbm>>)
    return
  }
}

module attributes {stable_mosaic.version = 14 : i64} {
  func.func @_router_sort_kernel(%arg0: memref<2048x1024xf32, #tpu.memory_space<vmem>>, %arg1: memref<1024x16xf32, #tpu.memory_space<vmem>>, %arg2: memref<1x16xf32, #tpu.memory_space<vmem>>, %arg3: memref<1x1xf32, #tpu.memory_space<vmem>>, %arg4: memref<1x2048xi32, #tpu.memory_space<vmem>>, %arg5: memref<1x2048xi32, #tpu.memory_space<vmem>>, %arg6: memref<3x28xi32, #tpu.memory_space<vmem>>, %arg7: memref<2048x128xf32, #tpu.memory_space<vmem>>, %arg8: memref<2048x128xf32, #tpu.memory_space<vmem>>, %arg9: memref<2048x16xf32, #tpu.memory_space<vmem>>) attributes {dimension_semantics = [], scalar_prefetch = 0 : i64, scratch_operands = 1 : i64, tpu.core_type = #tpu.core_type<tc>} {
    %get3A = arith.constant 0 : index
    %get3A_0 = arith.constant 0 : index
    %get3A_1 = vector.load %arg0[%get3A, %get3A_0] : memref<2048x1024xf32, #tpu.memory_space<vmem>>, vector<2048x1024xf32>
    %get3A_2 = arith.constant 0 : index
    %get3A_3 = arith.constant 0 : index
    %get3A_4 = vector.load %arg1[%get3A_2, %get3A_3] : memref<1024x16xf32, #tpu.memory_space<vmem>>, vector<1024x16xf32>
    %dot_general3A = arith.constant dense<0.000000e+00> : vector<2048x16xf32>
    %dot_general3A_5 = tpu.matmul %get3A_1, %get3A_4, %dot_general3A {dimension_numbers = #tpu.dot_dimension_numbers<[1], [0], [0], [1], [0, 0, 1, 1], [], []>, transpose_lhs_hint = false} : vector<2048x1024xf32>, vector<1024x16xf32>, vector<2048x16xf32> -> vector<2048x16xf32>
    %get3A_6 = arith.constant 0 : index
    %get3A_7 = arith.constant 0 : index
    %get3A_8 = vector.load %arg2[%get3A_6, %get3A_7] : memref<1x16xf32, #tpu.memory_space<vmem>>, vector<1x16xf32>
    %add3A = vector.broadcast %get3A_8 : vector<1x16xf32> to vector<2048x16xf32>
    %add3A_9 = arith.addf %dot_general3A_5, %add3A : vector<2048x16xf32>
    %mul3A = arith.constant 1.000000e+01 : f32
    %mul3A_10 = vector.broadcast %mul3A : f32 to vector<2048x16xf32>
    %mul3A_11 = arith.mulf %add3A_9, %mul3A_10 : vector<2048x16xf32>
    %reduce_max3A = arith.constant dense<0xFF800000> : vector<2048xf32>
    %reduce_max3A_12 = vector.multi_reduction <maximumf>, %mul3A_11, %reduce_max3A [1] : vector<2048x16xf32> to vector<2048xf32>
    %broadcast_in_dim3A = vector.shape_cast %reduce_max3A_12 : vector<2048xf32> to vector<2048x1xf32>
    %sub3A = vector.broadcast %broadcast_in_dim3A : vector<2048x1xf32> to vector<2048x16xf32>
    %sub3A_13 = arith.subf %mul3A_11, %sub3A : vector<2048x16xf32>
    %exp3A = math.exp %sub3A_13 : vector<2048x16xf32>
    %reduce_sum3A = arith.constant dense<0.000000e+00> : vector<2048xf32>
    %reduce_sum3A_14 = vector.multi_reduction <add>, %exp3A, %reduce_sum3A [1] : vector<2048x16xf32> to vector<2048xf32>
    %broadcast_in_dim3A_15 = vector.shape_cast %reduce_sum3A_14 : vector<2048xf32> to vector<2048x1xf32>
    %div3A = vector.broadcast %broadcast_in_dim3A_15 : vector<2048x1xf32> to vector<2048x16xf32>
    %div3A_16 = arith.divf %exp3A, %div3A : vector<2048x16xf32>
    %reduce_sum3A_17 = arith.constant dense<0.000000e+00> : vector<16xf32>
    %reduce_sum3A_18 = vector.multi_reduction <add>, %div3A_16, %reduce_sum3A_17 [0] : vector<2048x16xf32> to vector<16xf32>
    %mul3A_19 = arith.mulf %reduce_sum3A_18, %reduce_sum3A_18 : vector<16xf32>
    %reduce_sum3A_20 = vector.shape_cast %mul3A_19 : vector<16xf32> to vector<1x16xf32>
    %reduce_sum3A_21 = arith.constant dense<0.000000e+00> : vector<1xf32>
    %reduce_sum3A_22 = vector.multi_reduction <add>, %reduce_sum3A_20, %reduce_sum3A_21 [1] : vector<1x16xf32> to vector<1xf32>
    %reduce_sum3A_23 = vector.shape_cast %reduce_sum3A_22 : vector<1xf32> to vector<1x1xf32>
    %reduce_sum3A_24 = vector.extract %reduce_sum3A_23[0, 0] : f32 from vector<1x1xf32>
    %div3A_25 = arith.constant 1.600000e+01 : f32
    %div3A_26 = arith.divf %reduce_sum3A_24, %div3A_25 : f32
    %mul3A_27 = arith.constant 9.99999974E-6 : f32
    %mul3A_28 = arith.mulf %div3A_26, %mul3A_27 : f32
    %reshape3A = vector.broadcast %mul3A_28 : f32 to vector<1x1xf32>
    %swap3A = arith.constant 0 : index
    %swap3A_29 = arith.constant 0 : index
    %swap3A_30 = vector.load %arg3[%swap3A, %swap3A_29] : memref<1x1xf32, #tpu.memory_space<vmem>>, vector<1x1xf32>
    tpu.vector_store %arg3[%swap3A, %swap3A_29], %reshape3A {strides = array<i32>} : memref<1x1xf32, #tpu.memory_space<vmem>>, vector<1x1xf32>,
    %iota3A = tpu.iota {dimensions = array<i32: 1>} : vector<2048x16xi32>
    %reduce_max3A_31 = arith.constant dense<0xFF800000> : vector<2048xf32>
    %reduce_max3A_32 = vector.multi_reduction <maximumf>, %mul3A_11, %reduce_max3A_31 [1] : vector<2048x16xf32> to vector<2048xf32>
    %broadcast_in_dim3A_33 = vector.shape_cast %reduce_max3A_32 : vector<2048xf32> to vector<2048x1xf32>
    %eq3A = vector.broadcast %broadcast_in_dim3A_33 : vector<2048x1xf32> to vector<2048x16xf32>
    %eq3A_34 = arith.cmpf oeq, %mul3A_11, %eq3A : vector<2048x16xf32>
    %jit3A = arith.constant 16 : i32
    %broadcast_in_dim3A_35 = vector.broadcast %jit3A : i32 to vector<2048x16xi32>
    %select_n3A = arith.select %eq3A_34, %iota3A, %broadcast_in_dim3A_35 : vector<2048x16xi1>, vector<2048x16xi32>
    %reduce_min3A = arith.constant dense<2147483647> : vector<2048xi32>
    %reduce_min3A_36 = vector.multi_reduction <minsi>, %select_n3A, %reduce_min3A [1] : vector<2048x16xi32> to vector<2048xi32>
    %broadcast_in_dim3A_37 = vector.shape_cast %reduce_min3A_36 : vector<2048xi32> to vector<2048x1xi32>
    %eq3A_38 = vector.broadcast %broadcast_in_dim3A_37 : vector<2048x1xi32> to vector<2048x16xi32>
    %eq3A_39 = arith.cmpi eq, %iota3A, %eq3A_38 : vector<2048x16xi32>
    %jit3A_40 = arith.constant -1.000000e+30 : f32
    %broadcast_in_dim3A_41 = vector.broadcast %jit3A_40 : f32 to vector<2048x16xf32>
    %select_n3A_42 = arith.select %eq3A_39, %broadcast_in_dim3A_41, %mul3A_11 : vector<2048x16xi1>, vector<2048x16xf32>
    %reduce_max3A_43 = arith.constant dense<0xFF800000> : vector<2048xf32>
    %reduce_max3A_44 = vector.multi_reduction <maximumf>, %select_n3A_42, %reduce_max3A_43 [1] : vector<2048x16xf32> to vector<2048xf32>
    %broadcast_in_dim3A_45 = vector.shape_cast %reduce_max3A_44 : vector<2048xf32> to vector<2048x1xf32>
    %eq3A_46 = vector.broadcast %broadcast_in_dim3A_45 : vector<2048x1xf32> to vector<2048x16xf32>
    %eq3A_47 = arith.cmpf oeq, %select_n3A_42, %eq3A_46 : vector<2048x16xf32>
    %jit3A_48 = arith.constant 16 : i32
    %broadcast_in_dim3A_49 = vector.broadcast %jit3A_48 : i32 to vector<2048x16xi32>
    %select_n3A_50 = arith.select %eq3A_47, %iota3A, %broadcast_in_dim3A_49 : vector<2048x16xi1>, vector<2048x16xi32>
    %reduce_min3A_51 = arith.constant dense<2147483647> : vector<2048xi32>
    %reduce_min3A_52 = vector.multi_reduction <minsi>, %select_n3A_50, %reduce_min3A_51 [1] : vector<2048x16xi32> to vector<2048xi32>
    %broadcast_in_dim3A_53 = vector.shape_cast %reduce_min3A_52 : vector<2048xi32> to vector<2048x1xi32>
    %sub3A_54 = arith.subf %broadcast_in_dim3A_45, %broadcast_in_dim3A_33 : vector<2048x1xf32>
    %exp3A_55 = math.exp %sub3A_54 : vector<2048x1xf32>
    %add3A_56 = arith.constant 1.000000e+00 : f32
    %add3A_57 = vector.broadcast %add3A_56 : f32 to vector<2048x1xf32>
    %add3A_58 = arith.addf %add3A_57, %exp3A_55 : vector<2048x1xf32>
    %div3A_59 = arith.constant 1.000000e+00 : f32
    %div3A_60 = vector.broadcast %div3A_59 : f32 to vector<2048x1xf32>
    %div3A_61 = arith.divf %div3A_60, %add3A_58 : vector<2048x1xf32>
    %add3A_62 = arith.constant 1.000000e+00 : f32
    %add3A_63 = vector.broadcast %add3A_62 : f32 to vector<2048x1xf32>
    %add3A_64 = arith.addf %add3A_63, %exp3A_55 : vector<2048x1xf32>
    %div3A_65 = arith.divf %exp3A_55, %add3A_64 : vector<2048x1xf32>
    %broadcast_in_dim3A_66 = vector.shape_cast %div3A_61 : vector<2048x1xf32> to vector<2048x1xf32>
    %broadcast_in_dim3A_67 = vector.broadcast %broadcast_in_dim3A_66 : vector<2048x1xf32> to vector<2048x128xf32>
    %swap3A_68 = arith.constant 0 : index
    %swap3A_69 = arith.constant 0 : index
    %swap3A_70 = vector.load %arg7[%swap3A_68, %swap3A_69] : memref<2048x128xf32, #tpu.memory_space<vmem>>, vector<2048x128xf32>
    tpu.vector_store %arg7[%swap3A_68, %swap3A_69], %broadcast_in_dim3A_67 {strides = array<i32>} : memref<2048x128xf32, #tpu.memory_space<vmem>>, vector<2048x128xf32>,
    %broadcast_in_dim3A_71 = vector.shape_cast %div3A_65 : vector<2048x1xf32> to vector<2048x1xf32>
    %broadcast_in_dim3A_72 = vector.broadcast %broadcast_in_dim3A_71 : vector<2048x1xf32> to vector<2048x128xf32>
    %swap3A_73 = arith.constant 0 : index
    %swap3A_74 = arith.constant 0 : index
    %swap3A_75 = vector.load %arg8[%swap3A_73, %swap3A_74] : memref<2048x128xf32, #tpu.memory_space<vmem>>, vector<2048x128xf32>
    tpu.vector_store %arg8[%swap3A_73, %swap3A_74], %broadcast_in_dim3A_72 {strides = array<i32>} : memref<2048x128xf32, #tpu.memory_space<vmem>>, vector<2048x128xf32>,
    %eq3A_76 = vector.broadcast %broadcast_in_dim3A_37 : vector<2048x1xi32> to vector<2048x16xi32>
    %eq3A_77 = arith.cmpi eq, %iota3A, %eq3A_76 : vector<2048x16xi32>
    %convert_element_type3A = arith.extui %eq3A_77 : vector<2048x16xi1> to vector<2048x16xi32>
    %convert_element_type3A_78 = arith.sitofp %convert_element_type3A : vector<2048x16xi32> to vector<2048x16xf32>
    %eq3A_79 = vector.broadcast %broadcast_in_dim3A_53 : vector<2048x1xi32> to vector<2048x16xi32>
    %eq3A_80 = arith.cmpi eq, %iota3A, %eq3A_79 : vector<2048x16xi32>
    %convert_element_type3A_81 = arith.extui %eq3A_80 : vector<2048x16xi1> to vector<2048x16xi32>
    %convert_element_type3A_82 = arith.sitofp %convert_element_type3A_81 : vector<2048x16xi32> to vector<2048x16xf32>
    %add3A_83 = arith.addf %convert_element_type3A_78, %convert_element_type3A_82 : vector<2048x16xf32>
    %broadcast_in_dim3A_84 = arith.constant 0.000000e+00 : f32
    %broadcast_in_dim3A_85 = vector.broadcast %broadcast_in_dim3A_84 : f32 to vector<1x16xf32>
    %slice3A = vector.extract_strided_slice %add3A_83 {offsets = [0, 0], sizes = [512, 16], strides = [1, 1]} : vector<2048x16xf32> to vector<512x16xf32>
    %iota3A_86 = tpu.iota {dimensions = array<i32: 0>} : vector<512x512xi32>
    %iota3A_87 = tpu.iota {dimensions = array<i32: 1>} : vector<512x512xi32>
    %gt3A = arith.cmpi sgt, %iota3A_86, %iota3A_87 : vector<512x512xi32>
    %convert_element_type3A_88 = arith.extui %gt3A : vector<512x512xi1> to vector<512x512xi32>
    %convert_element_type3A_89 = arith.sitofp %convert_element_type3A_88 : vector<512x512xi32> to vector<512x512xf32>
    %dot_general3A_90 = arith.constant dense<0.000000e+00> : vector<512x16xf32>
    %dot_general3A_91 = tpu.matmul %convert_element_type3A_89, %slice3A, %dot_general3A_90 {dimension_numbers = #tpu.dot_dimension_numbers<[1], [0], [0], [1], [0, 0, 1, 1], [], []>, transpose_lhs_hint = false} : vector<512x512xf32>, vector<512x16xf32>, vector<512x16xf32> -> vector<512x16xf32>
    %add3A_92 = vector.broadcast %broadcast_in_dim3A_85 : vector<1x16xf32> to vector<512x16xf32>
    %add3A_93 = arith.addf %dot_general3A_91, %add3A_92 : vector<512x16xf32>
    %swap3A_94 = arith.constant 0 : index
    %swap3A_95 = arith.constant 0 : index
    %swap3A_96 = vector.load %arg9[%swap3A_94, %swap3A_95] : memref<2048x16xf32, #tpu.memory_space<vmem>>, vector<512x16xf32>
    tpu.vector_store %arg9[%swap3A_94, %swap3A_95], %add3A_93 {strides = array<i32>} : memref<2048x16xf32, #tpu.memory_space<vmem>>, vector<512x16xf32>,
    %reduce_sum3A_97 = arith.constant dense<0.000000e+00> : vector<16xf32>
    %reduce_sum3A_98 = vector.multi_reduction <add>, %slice3A, %reduce_sum3A_97 [0] : vector<512x16xf32> to vector<16xf32>
    %broadcast_in_dim3A_99 = vector.shape_cast %reduce_sum3A_98 : vector<16xf32> to vector<1x16xf32>
    %add3A_100 = arith.addf %broadcast_in_dim3A_85, %broadcast_in_dim3A_99 : vector<1x16xf32>
    %slice3A_101 = vector.extract_strided_slice %add3A_83 {offsets = [512, 0], sizes = [512, 16], strides = [1, 1]} : vector<2048x16xf32> to vector<512x16xf32>
    %iota3A_102 = tpu.iota {dimensions = array<i32: 0>} : vector<512x512xi32>
    %iota3A_103 = tpu.iota {dimensions = array<i32: 1>} : vector<512x512xi32>
    %gt3A_104 = arith.cmpi sgt, %iota3A_102, %iota3A_103 : vector<512x512xi32>
    %convert_element_type3A_105 = arith.extui %gt3A_104 : vector<512x512xi1> to vector<512x512xi32>
    %convert_element_type3A_106 = arith.sitofp %convert_element_type3A_105 : vector<512x512xi32> to vector<512x512xf32>
    %dot_general3A_107 = arith.constant dense<0.000000e+00> : vector<512x16xf32>
    %dot_general3A_108 = tpu.matmul %convert_element_type3A_106, %slice3A_101, %dot_general3A_107 {dimension_numbers = #tpu.dot_dimension_numbers<[1], [0], [0], [1], [0, 0, 1, 1], [], []>, transpose_lhs_hint = false} : vector<512x512xf32>, vector<512x16xf32>, vector<512x16xf32> -> vector<512x16xf32>
    %add3A_109 = vector.broadcast %add3A_100 : vector<1x16xf32> to vector<512x16xf32>
    %add3A_110 = arith.addf %dot_general3A_108, %add3A_109 : vector<512x16xf32>
    %swap3A_111 = arith.constant 512 : index
    %swap3A_112 = arith.constant 0 : index
    %swap3A_113 = vector.load %arg9[%swap3A_111, %swap3A_112] : memref<2048x16xf32, #tpu.memory_space<vmem>>, vector<512x16xf32>
    tpu.vector_store %arg9[%swap3A_111, %swap3A_112], %add3A_110 {strides = array<i32>} : memref<2048x16xf32, #tpu.memory_space<vmem>>, vector<512x16xf32>,
    %reduce_sum3A_114 = arith.constant dense<0.000000e+00> : vector<16xf32>
    %reduce_sum3A_115 = vector.multi_reduction <add>, %slice3A_101, %reduce_sum3A_114 [0] : vector<512x16xf32> to vector<16xf32>
    %broadcast_in_dim3A_116 = vector.shape_cast %reduce_sum3A_115 : vector<16xf32> to vector<1x16xf32>
    %add3A_117 = arith.addf %add3A_100, %broadcast_in_dim3A_116 : vector<1x16xf32>
    %slice3A_118 = vector.extract_strided_slice %add3A_83 {offsets = [1024, 0], sizes = [512, 16], strides = [1, 1]} : vector<2048x16xf32> to vector<512x16xf32>
    %iota3A_119 = tpu.iota {dimensions = array<i32: 0>} : vector<512x512xi32>
    %iota3A_120 = tpu.iota {dimensions = array<i32: 1>} : vector<512x512xi32>
    %gt3A_121 = arith.cmpi sgt, %iota3A_119, %iota3A_120 : vector<512x512xi32>
    %convert_element_type3A_122 = arith.extui %gt3A_121 : vector<512x512xi1> to vector<512x512xi32>
    %convert_element_type3A_123 = arith.sitofp %convert_element_type3A_122 : vector<512x512xi32> to vector<512x512xf32>
    %dot_general3A_124 = arith.constant dense<0.000000e+00> : vector<512x16xf32>
    %dot_general3A_125 = tpu.matmul %convert_element_type3A_123, %slice3A_118, %dot_general3A_124 {dimension_numbers = #tpu.dot_dimension_numbers<[1], [0], [0], [1], [0, 0, 1, 1], [], []>, transpose_lhs_hint = false} : vector<512x512xf32>, vector<512x16xf32>, vector<512x16xf32> -> vector<512x16xf32>
    %add3A_126 = vector.broadcast %add3A_117 : vector<1x16xf32> to vector<512x16xf32>
    %add3A_127 = arith.addf %dot_general3A_125, %add3A_126 : vector<512x16xf32>
    %swap3A_128 = arith.constant 1024 : index
    %swap3A_129 = arith.constant 0 : index
    %swap3A_130 = vector.load %arg9[%swap3A_128, %swap3A_129] : memref<2048x16xf32, #tpu.memory_space<vmem>>, vector<512x16xf32>
    tpu.vector_store %arg9[%swap3A_128, %swap3A_129], %add3A_127 {strides = array<i32>} : memref<2048x16xf32, #tpu.memory_space<vmem>>, vector<512x16xf32>,
    %reduce_sum3A_131 = arith.constant dense<0.000000e+00> : vector<16xf32>
    %reduce_sum3A_132 = vector.multi_reduction <add>, %slice3A_118, %reduce_sum3A_131 [0] : vector<512x16xf32> to vector<16xf32>
    %broadcast_in_dim3A_133 = vector.shape_cast %reduce_sum3A_132 : vector<16xf32> to vector<1x16xf32>
    %add3A_134 = arith.addf %add3A_117, %broadcast_in_dim3A_133 : vector<1x16xf32>
    %slice3A_135 = vector.extract_strided_slice %add3A_83 {offsets = [1536, 0], sizes = [512, 16], strides = [1, 1]} : vector<2048x16xf32> to vector<512x16xf32>
    %iota3A_136 = tpu.iota {dimensions = array<i32: 0>} : vector<512x512xi32>
    %iota3A_137 = tpu.iota {dimensions = array<i32: 1>} : vector<512x512xi32>
    %gt3A_138 = arith.cmpi sgt, %iota3A_136, %iota3A_137 : vector<512x512xi32>
    %convert_element_type3A_139 = arith.extui %gt3A_138 : vector<512x512xi1> to vector<512x512xi32>
    %convert_element_type3A_140 = arith.sitofp %convert_element_type3A_139 : vector<512x512xi32> to vector<512x512xf32>
    %dot_general3A_141 = arith.constant dense<0.000000e+00> : vector<512x16xf32>
    %dot_general3A_142 = tpu.matmul %convert_element_type3A_140, %slice3A_135, %dot_general3A_141 {dimension_numbers = #tpu.dot_dimension_numbers<[1], [0], [0], [1], [0, 0, 1, 1], [], []>, transpose_lhs_hint = false} : vector<512x512xf32>, vector<512x16xf32>, vector<512x16xf32> -> vector<512x16xf32>
    %add3A_143 = vector.broadcast %add3A_134 : vector<1x16xf32> to vector<512x16xf32>
    %add3A_144 = arith.addf %dot_general3A_142, %add3A_143 : vector<512x16xf32>
    %swap3A_145 = arith.constant 1536 : index
    %swap3A_146 = arith.constant 0 : index
    %swap3A_147 = vector.load %arg9[%swap3A_145, %swap3A_146] : memref<2048x16xf32, #tpu.memory_space<vmem>>, vector<512x16xf32>
    tpu.vector_store %arg9[%swap3A_145, %swap3A_146], %add3A_144 {strides = array<i32>} : memref<2048x16xf32, #tpu.memory_space<vmem>>, vector<512x16xf32>,
    %reduce_sum3A_148 = arith.constant dense<0.000000e+00> : vector<16xf32>
    %reduce_sum3A_149 = vector.multi_reduction <add>, %slice3A_135, %reduce_sum3A_148 [0] : vector<512x16xf32> to vector<16xf32>
    %broadcast_in_dim3A_150 = vector.shape_cast %reduce_sum3A_149 : vector<16xf32> to vector<1x16xf32>
    %add3A_151 = arith.addf %add3A_134, %broadcast_in_dim3A_150 : vector<1x16xf32>
    %get3A_152 = arith.constant 0 : index
    %get3A_153 = arith.constant 0 : index
    %get3A_154 = vector.load %arg9[%get3A_152, %get3A_153] : memref<2048x16xf32, #tpu.memory_space<vmem>>, vector<2048x16xf32>
    %mul3A_155 = arith.mulf %get3A_154, %convert_element_type3A_78 : vector<2048x16xf32>
    %reduce_sum3A_156 = arith.constant dense<0.000000e+00> : vector<2048xf32>
    %reduce_sum3A_157 = vector.multi_reduction <add>, %mul3A_155, %reduce_sum3A_156 [1] : vector<2048x16xf32> to vector<2048xf32>
    %broadcast_in_dim3A_158 = vector.shape_cast %reduce_sum3A_157 : vector<2048xf32> to vector<2048x1xf32>
    %mul3A_159 = arith.mulf %get3A_154, %convert_element_type3A_82 : vector<2048x16xf32>
    %reduce_sum3A_160 = arith.constant dense<0.000000e+00> : vector<2048xf32>
    %reduce_sum3A_161 = vector.multi_reduction <add>, %mul3A_159, %reduce_sum3A_160 [1] : vector<2048x16xf32> to vector<2048xf32>
    %broadcast_in_dim3A_162 = vector.shape_cast %reduce_sum3A_161 : vector<2048xf32> to vector<2048x1xf32>
    %add3A_163 = arith.constant 3.190000e+02 : f32
    %add3A_164 = vector.broadcast %add3A_163 : f32 to vector<1x16xf32>
    %add3A_165 = arith.addf %add3A_151, %add3A_164 : vector<1x16xf32>
    %mul3A_166 = arith.constant 3.125000e-03 : f32
    %mul3A_167 = vector.broadcast %mul3A_166 : f32 to vector<1x16xf32>
    %mul3A_168 = arith.mulf %add3A_165, %mul3A_167 : vector<1x16xf32>
    %floor3A = math.floor %mul3A_168 : vector<1x16xf32>
    %iota3A_169 = tpu.iota {dimensions = array<i32: 0>} : vector<16x16xi32>
    %iota3A_170 = tpu.iota {dimensions = array<i32: 1>} : vector<16x16xi32>
    %lt3A = arith.cmpi slt, %iota3A_169, %iota3A_170 : vector<16x16xi32>
    %convert_element_type3A_171 = arith.extui %lt3A : vector<16x16xi1> to vector<16x16xi32>
    %convert_element_type3A_172 = arith.sitofp %convert_element_type3A_171 : vector<16x16xi32> to vector<16x16xf32>
    %dot_general3A_173 = arith.constant dense<0.000000e+00> : vector<1x16xf32>
    %dot_general3A_174 = tpu.matmul %floor3A, %convert_element_type3A_172, %dot_general3A_173 {dimension_numbers = #tpu.dot_dimension_numbers<[1], [0], [0], [1], [0, 0, 1, 1], [], []>, transpose_lhs_hint = false} : vector<1x16xf32>, vector<16x16xf32>, vector<1x16xf32> -> vector<1x16xf32>
    %mul3A_175 = arith.constant 3.200000e+02 : f32
    %mul3A_176 = vector.broadcast %mul3A_175 : f32 to vector<1x16xf32>
    %mul3A_177 = arith.mulf %dot_general3A_174, %mul3A_176 : vector<1x16xf32>
    %mul3A_178 = vector.broadcast %mul3A_177 : vector<1x16xf32> to vector<2048x16xf32>
    %mul3A_179 = arith.mulf %mul3A_178, %convert_element_type3A_78 : vector<2048x16xf32>
    %reduce_sum3A_180 = arith.constant dense<0.000000e+00> : vector<2048xf32>
    %reduce_sum3A_181 = vector.multi_reduction <add>, %mul3A_179, %reduce_sum3A_180 [1] : vector<2048x16xf32> to vector<2048xf32>
    %broadcast_in_dim3A_182 = vector.shape_cast %reduce_sum3A_181 : vector<2048xf32> to vector<2048x1xf32>
    %add3A_183 = arith.addf %broadcast_in_dim3A_182, %broadcast_in_dim3A_158 : vector<2048x1xf32>
    %mul3A_184 = vector.broadcast %mul3A_177 : vector<1x16xf32> to vector<2048x16xf32>
    %mul3A_185 = arith.mulf %mul3A_184, %convert_element_type3A_82 : vector<2048x16xf32>
    %reduce_sum3A_186 = arith.constant dense<0.000000e+00> : vector<2048xf32>
    %reduce_sum3A_187 = vector.multi_reduction <add>, %mul3A_185, %reduce_sum3A_186 [1] : vector<2048x16xf32> to vector<2048xf32>
    %broadcast_in_dim3A_188 = vector.shape_cast %reduce_sum3A_187 : vector<2048xf32> to vector<2048x1xf32>
    %add3A_189 = arith.addf %broadcast_in_dim3A_188, %broadcast_in_dim3A_162 : vector<2048x1xf32>
    %convert_element_type3A_190 = arith.fptosi %add3A_183 : vector<2048x1xf32> to vector<2048x1xi32>
    %reshape3A_191 = vector.shape_cast %convert_element_type3A_190 : vector<2048x1xi32> to vector<1x2048xi32>
    %swap3A_192 = arith.constant 0 : index
    %swap3A_193 = arith.constant 0 : index
    %swap3A_194 = vector.load %arg4[%swap3A_192, %swap3A_193] : memref<1x2048xi32, #tpu.memory_space<vmem>>, vector<1x2048xi32>
    tpu.vector_store %arg4[%swap3A_192, %swap3A_193], %reshape3A_191 {strides = array<i32>} : memref<1x2048xi32, #tpu.memory_space<vmem>>, vector<1x2048xi32>,
    %convert_element_type3A_195 = arith.fptosi %add3A_189 : vector<2048x1xf32> to vector<2048x1xi32>
    %reshape3A_196 = vector.shape_cast %convert_element_type3A_195 : vector<2048x1xi32> to vector<1x2048xi32>
    %swap3A_197 = arith.constant 0 : index
    %swap3A_198 = arith.constant 0 : index
    %swap3A_199 = vector.load %arg5[%swap3A_197, %swap3A_198] : memref<1x2048xi32, #tpu.memory_space<vmem>>, vector<1x2048xi32>
    tpu.vector_store %arg5[%swap3A_197, %swap3A_198], %reshape3A_196 {strides = array<i32>} : memref<1x2048xi32, #tpu.memory_space<vmem>>, vector<1x2048xi32>,
    %reduce_sum3A_200 = vector.shape_cast %floor3A : vector<1x16xf32> to vector<1x1x16xf32>
    %reduce_sum3A_201 = arith.constant dense<0.000000e+00> : vector<1xf32>
    %reduce_sum3A_202 = vector.multi_reduction <add>, %reduce_sum3A_200, %reduce_sum3A_201 [1, 2] : vector<1x1x16xf32> to vector<1xf32>
    %reduce_sum3A_203 = vector.shape_cast %reduce_sum3A_202 : vector<1xf32> to vector<1x1x1xf32>
    %reduce_sum3A_204 = vector.extract %reduce_sum3A_203[0, 0, 0] : f32 from vector<1x1x1xf32>
    %iota3A_205 = tpu.iota {dimensions = array<i32: 1>} : vector<1x28xi32>
    %convert_element_type3A_206 = arith.sitofp %iota3A_205 : vector<1x28xi32> to vector<1x28xf32>
    %reshape3A_207 = vector.shape_cast %dot_general3A_174 : vector<1x16xf32> to vector<16x1xf32>
    %le3A = vector.broadcast %reshape3A_207 : vector<16x1xf32> to vector<16x28xf32>
    %le3A_208 = vector.broadcast %convert_element_type3A_206 : vector<1x28xf32> to vector<16x28xf32>
    %le3A_209 = arith.cmpf ole, %le3A, %le3A_208 : vector<16x28xf32>
    %convert_element_type3A_210 = arith.extui %le3A_209 : vector<16x28xi1> to vector<16x28xi32>
    %convert_element_type3A_211 = arith.sitofp %convert_element_type3A_210 : vector<16x28xi32> to vector<16x28xf32>
    %reduce_sum3A_212 = arith.constant dense<0.000000e+00> : vector<28xf32>
    %reduce_sum3A_213 = vector.multi_reduction <add>, %convert_element_type3A_211, %reduce_sum3A_212 [0] : vector<16x28xf32> to vector<28xf32>
    %broadcast_in_dim3A_214 = vector.shape_cast %reduce_sum3A_213 : vector<28xf32> to vector<1x28xf32>
    %sub3A_215 = arith.constant 1.000000e+00 : f32
    %sub3A_216 = vector.broadcast %sub3A_215 : f32 to vector<1x28xf32>
    %sub3A_217 = arith.subf %broadcast_in_dim3A_214, %sub3A_216 : vector<1x28xf32>
    %lt3A_218 = vector.broadcast %reduce_sum3A_204 : f32 to vector<1x28xf32>
    %lt3A_219 = arith.cmpf olt, %convert_element_type3A_206, %lt3A_218 : vector<1x28xf32>
    %jit3A_220 = arith.constant 0.000000e+00 : f32
    %broadcast_in_dim3A_221 = vector.broadcast %jit3A_220 : f32 to vector<1x28xf32>
    %select_n3A_222 = arith.select %lt3A_219, %sub3A_217, %broadcast_in_dim3A_221 : vector<1x28xi1>, vector<1x28xf32>
    %reduce_max3A_223 = vector.shape_cast %select_n3A_222 : vector<1x28xf32> to vector<1x1x28xf32>
    %reduce_max3A_224 = arith.constant dense<0xFF800000> : vector<1xf32>
    %reduce_max3A_225 = vector.multi_reduction <maximumf>, %reduce_max3A_223, %reduce_max3A_224 [1, 2] : vector<1x1x28xf32> to vector<1xf32>
    %reduce_max3A_226 = vector.shape_cast %reduce_max3A_225 : vector<1xf32> to vector<1x1x1xf32>
    %reduce_max3A_227 = vector.extract %reduce_max3A_226[0, 0, 0] : f32 from vector<1x1x1xf32>
    %broadcast_in_dim3A_228 = vector.broadcast %reduce_max3A_227 : f32 to vector<1x28xf32>
    %select_n3A_229 = arith.select %lt3A_219, %sub3A_217, %broadcast_in_dim3A_228 : vector<1x28xi1>, vector<1x28xf32>
    %convert_element_type3A_230 = arith.fptosi %select_n3A_229 : vector<1x28xf32> to vector<1x28xi32>
    %swap3A_231 = arith.constant 0 : index
    %swap3A_232 = arith.constant 0 : index
    %swap3A_233 = vector.load %arg6[%swap3A_231, %swap3A_232] : memref<3x28xi32, #tpu.memory_space<vmem>>, vector<1x28xi32>
    tpu.vector_store %arg6[%swap3A_231, %swap3A_232], %convert_element_type3A_230 {strides = array<i32>} : memref<3x28xi32, #tpu.memory_space<vmem>>, vector<1x28xi32>,
    %sub3A_234 = arith.constant 1.000000e+00 : f32
    %sub3A_235 = arith.subf %reduce_sum3A_204, %sub3A_234 : f32
    %broadcast_in_dim3A_236 = vector.broadcast %sub3A_235 : f32 to vector<1x28xf32>
    %select_n3A_237 = arith.select %lt3A_219, %convert_element_type3A_206, %broadcast_in_dim3A_236 : vector<1x28xi1>, vector<1x28xf32>
    %convert_element_type3A_238 = arith.fptosi %select_n3A_237 : vector<1x28xf32> to vector<1x28xi32>
    %swap3A_239 = arith.constant 1 : index
    %swap3A_240 = arith.constant 0 : index
    %swap3A_241 = vector.load %arg6[%swap3A_239, %swap3A_240] : memref<3x28xi32, #tpu.memory_space<vmem>>, vector<1x28xi32>
    tpu.vector_store %arg6[%swap3A_239, %swap3A_240], %convert_element_type3A_238 {strides = array<i32>} : memref<3x28xi32, #tpu.memory_space<vmem>>, vector<1x28xi32>,
    %jit3A_242 = arith.constant 2.800000e+01 : f32
    %broadcast_in_dim3A_243 = vector.broadcast %jit3A_242 : f32 to vector<1x28xf32>
    %select_n3A_244 = arith.select %lt3A_219, %convert_element_type3A_206, %broadcast_in_dim3A_243 : vector<1x28xi1>, vector<1x28xf32>
    %convert_element_type3A_245 = arith.fptosi %select_n3A_244 : vector<1x28xf32> to vector<1x28xi32>
    %swap3A_246 = arith.constant 2 : index
    %swap3A_247 = arith.constant 0 : index
    %swap3A_248 = vector.load %arg6[%swap3A_246, %swap3A_247] : memref<3x28xi32, #tpu.memory_space<vmem>>, vector<1x28xi32>
    tpu.vector_store %arg6[%swap3A_246, %swap3A_247], %convert_element_type3A_245 {strides = array<i32>} : memref<3x28xi32, #tpu.memory_space<vmem>>, vector<1x28xi32>,
    return
  }
}

module attributes {stable_mosaic.version = 14 : i64} {
  func.func @_expert_mlp_kernel(%arg0: i32, %arg1: memref<3x28xi32, #tpu.memory_space<smem>>, %arg2: memref<320x1024xf32, #tpu.memory_space<vmem>>, %arg3: memref<1x1024x512xf32, #tpu.memory_space<vmem>>, %arg4: memref<1x1x512xf32, #tpu.memory_space<vmem>>, %arg5: memref<1x512x1024xf32, #tpu.memory_space<vmem>>, %arg6: memref<1x1x1024xf32, #tpu.memory_space<vmem>>, %arg7: memref<320x1024xf32, #tpu.memory_space<vmem>>) attributes {dimension_semantics = [#tpu.dimension_semantics<arbitrary>], iteration_bounds = array<i64: 28>, scalar_prefetch = 1 : i64, scratch_operands = 0 : i64, tpu.core_type = #tpu.core_type<tc>, window_params = [{transform_indices = @transform_0, window_bounds = array<i64: 320, 1024>}, {transform_indices = @transform_1, window_bounds = array<i64: 1, 1024, 512>}, {transform_indices = @transform_2, window_bounds = array<i64: 1, 1, 512>}, {transform_indices = @transform_3, window_bounds = array<i64: 1, 512, 1024>}, {transform_indices = @transform_4, window_bounds = array<i64: 1, 1, 1024>}, {transform_indices = @transform_5, window_bounds = array<i64: 320, 1024>}]} {
    %get3A = arith.constant 2 : index
    %get3A_0 = arith.index_cast %arg0 : i32 to index
    %get3A_1 = memref.load %arg1[%get3A, %get3A_0] : memref<3x28xi32, #tpu.memory_space<smem>>
    %ne3A = arith.constant 28 : i32
    %ne3A_2 = arith.cmpi ne, %get3A_1, %ne3A : i32
    %convert_element_type3A = arith.extui %ne3A_2 : i1 to i32
    %cond3A = arith.constant 0 : i32
    %cond3A_3 = arith.cmpi ne, %convert_element_type3A, %cond3A : i32
    scf.if %cond3A_3 {
      %get3A_4 = arith.constant 0 : index
      %get3A_5 = arith.constant 0 : index
      %get3A_6 = vector.load %arg2[%get3A_4, %get3A_5] : memref<320x1024xf32, #tpu.memory_space<vmem>>, vector<320x1024xf32>
      %get3A_7 = arith.constant 0 : index
      %get3A_8 = arith.constant 0 : index
      %get3A_9 = arith.constant 0 : index
      %get3A_10 = vector.load %arg3[%get3A_7, %get3A_8, %get3A_9] : memref<1x1024x512xf32, #tpu.memory_space<vmem>>, vector<1x1024x512xf32>
      %get3A_11 = vector.shape_cast %get3A_10 : vector<1x1024x512xf32> to vector<1024x512xf32>
      %dot_general3A = arith.constant dense<0.000000e+00> : vector<320x512xf32>
      %dot_general3A_12 = tpu.matmul %get3A_6, %get3A_11, %dot_general3A {dimension_numbers = #tpu.dot_dimension_numbers<[1], [0], [0], [1], [0, 0, 1, 1], [], []>, transpose_lhs_hint = false} : vector<320x1024xf32>, vector<1024x512xf32>, vector<320x512xf32> -> vector<320x512xf32>
      %get3A_13 = arith.constant 0 : index
      %get3A_14 = arith.constant 0 : index
      %get3A_15 = arith.constant 0 : index
      %get3A_16 = vector.load %arg4[%get3A_13, %get3A_14, %get3A_15] : memref<1x1x512xf32, #tpu.memory_space<vmem>>, vector<1x1x512xf32>
      %get3A_17 = vector.shape_cast %get3A_16 : vector<1x1x512xf32> to vector<1x512xf32>
      %add3A = vector.broadcast %get3A_17 : vector<1x512xf32> to vector<320x512xf32>
      %add3A_18 = arith.addf %dot_general3A_12, %add3A : vector<320x512xf32>
      %neg3A = arith.constant 0.000000e+00 : f32
      %neg3A_19 = vector.broadcast %neg3A : f32 to vector<320x512xf32>
      %neg3A_20 = arith.subf %neg3A_19, %add3A_18 : vector<320x512xf32>
      %exp3A = math.exp %neg3A_20 : vector<320x512xf32>
      %add3A_21 = arith.constant 1.000000e+00 : f32
      %add3A_22 = vector.broadcast %add3A_21 : f32 to vector<320x512xf32>
      %add3A_23 = arith.addf %add3A_22, %exp3A : vector<320x512xf32>
      %div3A = arith.constant 1.000000e+00 : f32
      %div3A_24 = vector.broadcast %div3A : f32 to vector<320x512xf32>
      %div3A_25 = arith.divf %div3A_24, %add3A_23 : vector<320x512xf32>
      %mul3A = arith.mulf %add3A_18, %div3A_25 : vector<320x512xf32>
      %get3A_26 = arith.constant 0 : index
      %get3A_27 = arith.constant 0 : index
      %get3A_28 = arith.constant 0 : index
      %get3A_29 = vector.load %arg5[%get3A_26, %get3A_27, %get3A_28] : memref<1x512x1024xf32, #tpu.memory_space<vmem>>, vector<1x512x1024xf32>
      %get3A_30 = vector.shape_cast %get3A_29 : vector<1x512x1024xf32> to vector<512x1024xf32>
      %dot_general3A_31 = arith.constant dense<0.000000e+00> : vector<320x1024xf32>
      %dot_general3A_32 = tpu.matmul %mul3A, %get3A_30, %dot_general3A_31 {dimension_numbers = #tpu.dot_dimension_numbers<[1], [0], [0], [1], [0, 0, 1, 1], [], []>, transpose_lhs_hint = false} : vector<320x512xf32>, vector<512x1024xf32>, vector<320x1024xf32> -> vector<320x1024xf32>
      %get3A_33 = arith.constant 0 : index
      %get3A_34 = arith.constant 0 : index
      %get3A_35 = arith.constant 0 : index
      %get3A_36 = vector.load %arg6[%get3A_33, %get3A_34, %get3A_35] : memref<1x1x1024xf32, #tpu.memory_space<vmem>>, vector<1x1x1024xf32>
      %get3A_37 = vector.shape_cast %get3A_36 : vector<1x1x1024xf32> to vector<1x1024xf32>
      %add3A_38 = vector.broadcast %get3A_37 : vector<1x1024xf32> to vector<320x1024xf32>
      %add3A_39 = arith.addf %dot_general3A_32, %add3A_38 : vector<320x1024xf32>
      %swap3A = arith.constant 0 : index
      %swap3A_40 = arith.constant 0 : index
      %swap3A_41 = vector.load %arg7[%swap3A, %swap3A_40] : memref<320x1024xf32, #tpu.memory_space<vmem>>, vector<320x1024xf32>
      tpu.vector_store %arg7[%swap3A, %swap3A_40], %add3A_39 {strides = array<i32>} : memref<320x1024xf32, #tpu.memory_space<vmem>>, vector<320x1024xf32>,
    } else {
    }
    return
  }
  func.func @transform_0(%arg0: i32, %arg1: memref<3x28xi32, #tpu.memory_space<smem>>) -> (i32, i32) {
    %get3A = arith.constant 1 : index
    %get3A_0 = arith.index_cast %arg0 : i32 to index
    %get3A_1 = memref.load %arg1[%get3A, %get3A_0] : memref<3x28xi32, #tpu.memory_space<smem>>
    %c0_i32 = arith.constant 0 : i32
    %c0_i32_2 = arith.constant 0 : i32
    return %get3A_1, %c0_i32 : i32, i32
  }
  func.func @transform_1(%arg0: i32, %arg1: memref<3x28xi32, #tpu.memory_space<smem>>) -> (i32, i32, i32) {
    %get3A = arith.constant 0 : index
    %get3A_0 = arith.index_cast %arg0 : i32 to index
    %get3A_1 = memref.load %arg1[%get3A, %get3A_0] : memref<3x28xi32, #tpu.memory_space<smem>>
    %c0_i32 = arith.constant 0 : i32
    %c0_i32_2 = arith.constant 0 : i32
    %c0_i32_3 = arith.constant 0 : i32
    return %get3A_1, %c0_i32, %c0_i32_2 : i32, i32, i32
  }
  func.func @transform_2(%arg0: i32, %arg1: memref<3x28xi32, #tpu.memory_space<smem>>) -> (i32, i32, i32) {
    %get3A = arith.constant 0 : index
    %get3A_0 = arith.index_cast %arg0 : i32 to index
    %get3A_1 = memref.load %arg1[%get3A, %get3A_0] : memref<3x28xi32, #tpu.memory_space<smem>>
    %c0_i32 = arith.constant 0 : i32
    %c0_i32_2 = arith.constant 0 : i32
    %c0_i32_3 = arith.constant 0 : i32
    return %get3A_1, %c0_i32, %c0_i32_2 : i32, i32, i32
  }
  func.func @transform_3(%arg0: i32, %arg1: memref<3x28xi32, #tpu.memory_space<smem>>) -> (i32, i32, i32) {
    %get3A = arith.constant 0 : index
    %get3A_0 = arith.index_cast %arg0 : i32 to index
    %get3A_1 = memref.load %arg1[%get3A, %get3A_0] : memref<3x28xi32, #tpu.memory_space<smem>>
    %c0_i32 = arith.constant 0 : i32
    %c0_i32_2 = arith.constant 0 : i32
    %c0_i32_3 = arith.constant 0 : i32
    return %get3A_1, %c0_i32, %c0_i32_2 : i32, i32, i32
  }
  func.func @transform_4(%arg0: i32, %arg1: memref<3x28xi32, #tpu.memory_space<smem>>) -> (i32, i32, i32) {
    %get3A = arith.constant 0 : index
    %get3A_0 = arith.index_cast %arg0 : i32 to index
    %get3A_1 = memref.load %arg1[%get3A, %get3A_0] : memref<3x28xi32, #tpu.memory_space<smem>>
    %c0_i32 = arith.constant 0 : i32
    %c0_i32_2 = arith.constant 0 : i32
    %c0_i32_3 = arith.constant 0 : i32
    return %get3A_1, %c0_i32, %c0_i32_2 : i32, i32, i32
  }
  func.func @transform_5(%arg0: i32, %arg1: memref<3x28xi32, #tpu.memory_space<smem>>) -> (i32, i32) {
    %get3A = arith.constant 2 : index
    %get3A_0 = arith.index_cast %arg0 : i32 to index
    %get3A_1 = memref.load %arg1[%get3A, %get3A_0] : memref<3x28xi32, #tpu.memory_space<smem>>
    %c0_i32 = arith.constant 0 : i32
    %c0_i32_2 = arith.constant 0 : i32
    return %get3A_1, %c0_i32 : i32, i32
  }
}

</mosaic_0001>

<sc_bundles>
// kernel: kernel.6.cloned.1.call-start
scs
__scs_entry_jumppad:
0x0: {  	(pc) =	sbr.rel $0x88, $3  }
0x1: {  	(tag) =	ssettag $0x0;
	lr =	simm.s32 $0x1  }
0x2: {  	[smem:$0x3F9A] =	sst lr;
	_ =	strace $0xD0000000  }
0x3: {  	_ = 	snop  }
0x4: {  	_ = 	snop  }
0x5: {  	_ = 	snop  }
0x6: {  	_ = 	snop  }
0x7: {  	_ = 	snop  }
__scs_overlays_trampoline_lowered:
0x8: {  	[smem:$0x3FA9] =	sst s0  }
0x9: {  	[smem:$0x3FAA] =	sst s1  }
0xa: {  	[smem:$0x3FAB] =	sst s2  }
0xb: {  	[smem:$0x3FAC] =	sst s3  }
0xc: {  	[smem:$0x3FAD] =	sst s4  }
0xd: {  	[smem:$0x3FAE] =	sst s5  }
0xe: {  	[smem:$0x3FAF] =	sst s6  }
0xf: {  	[smem:$0x3FB0] =	sst s7  }
0x10: {  	[smem:$0x3FB1] =	sst s8  }
0x11: {  	[smem:$0x3FB2] =	sst s9;
	s0 =	simm.s32 @!p0 $0x0  }
0x12: {  	s1 =	sld [smem:$0x3F98];
	s0 =	simm.s32 @p0 $0x1  }
0x13: {  	[smem:$0x3FB3] =	sst s0;
	s0 =	simm.s32 @!p1 $0x0  }
0x14: {  	s2 =	sld [smem:$0x3F97];
	s0 =	simm.s32 @p1 $0x1  }
0x15: {  	[smem:$0x3FB4] =	sst s0;
	s0 =	simm.s32 @!p2 $0x0  }
0x16: {  	s3 =	sld [smem:$0x3FDB];
	s0 =	simm.s32 @p2 $0x1  }
0x17: {  	s4 =	simm.s32 $0x1BF5;
	[smem:$0x3FB6] =	sst s0  }
0x18: {  	s0 =	sld [smem:$0x3F99];
	_ =	swait.ge [sflag:s4], $0x0  }
0x19: {  	s7 =	sld [smem:$0x3F9A]  }
0x1a: {  	s8 =	sadd.s32 $0xFFFFE003, lr  }
0x1b: {  	s9 =	sadd.s32 $0xFFFFFEF7, lr;
	s5 =	simm.s32 $0xFFFFFFFF;
	p2 =	slt.u32 s8, $0xFFFFF086  }
0x1c: {  	p1 =	slt.u32 s9, $0xF7A;
	s5 =	simm.s32 @!p2 $0x0  }
0x1d: {  	s5 =	simm.s32 @p1 $0x1;
	p0 =	seq.s32 s7, s2  }
0x1e: {  	s7 =	smul.u32 @!p0 $0xF7A, s2;
	p2 =	seq.s32 @!p0 s5, $0x0  }
0x1f: {  	s9 =	smul.u32 $0xF7A, s1;
	s8 =	simm.s32 @!p0 $0x1BF5;
	p2 =	por !p2, p0  }
0x20: {  	[sflag:s8] =	ssyncset.s32 @!p0 $0xFFFFF086;
	s6 =	sadd.s32 @!p0 s3, s7;
	s7 =	simm.s32 @!p0 $0x108  }
0x21: {  	s3 =	sadd.s32 s3, s9;
	s6 =	sadd.s32 @!p0 $0x88, s6;
	s7 =	simm.s32 @p2 $0x1082  }
0x22: {  	[simem:s7], [sflag:s8] =	dma.local @!p0 [hbm:s6], $0xF7A  }
0x23: {  	s9 =	sor.u32 $0xD0000000, s2;
	s6 =	simm.s32 $0x108;
	_ =	swait.ge @!p0 [sflag:s8], $0x0  }
0x24: {  	s3 =	sadd.s32 $0x88, s3;
	s6 =	simm.s32 @!p1 $0x1082;
	[sflag:s4] =	ssyncset.s32 $0xFFFFF086  }
0x25: {  	[simem:s6], [sflag:s4] =	dma.local [hbm:s3], $0xF7A  }
0x26: {  	[smem:$0x3F9A] =	sst s1;
	(tag) =	ssettag s2;
	_ =	strace s9  }
0x27: {  	s1 =	sld [smem:$0x3FAA]  }
0x28: {  	s2 =	sld [smem:$0x3FAB]  }
0x29: {  	s4 =	sld [smem:$0x3FAD]  }
0x2a: {  	p0 =	seq.s32 s5, $0x0;
	s5 =	sld [smem:$0x3FAE]  }
0x2b: {  	s6 =	sld [smem:$0x3FAF]  }
0x2c: {  	s7 =	sld [smem:$0x3FB0]  }
0x2d: {  	s3 =	simm.s32 $0x108;
	s8 =	sld [smem:$0x3FB1]  }
0x2e: {  	s3 =	simm.s32 @!p0 $0x1082;
	s9 =	sld [smem:$0x3FB2]  }
0x2f: {  	lr =	sadd.s32 s0, s3;
	s0 =	sld [smem:$0x3FA9]  }
0x30: {  	s3 =	sld [smem:$0x3FAC]  }
0x31: {  	[smem:$0x3FB5] =	sst s10  }
0x32: {  	s10 =	sld [smem:$0x3FB3];
	_ =	sdelay $0x3  }
0x33: {  	p0 =	seq.s32 s10, $0x1;
	s10 =	sld [smem:$0x3FB5];
	_ =	sdelay $0x3  }
0x34: {  	[smem:$0x3FB5] =	sst s10  }
0x35: {  	s10 =	sld [smem:$0x3FB4];
	_ =	sdelay $0x3  }
0x36: {  	p1 =	seq.s32 s10, $0x1;
	s10 =	sld [smem:$0x3FB5];
	_ =	sdelay $0x3  }
0x37: {  	[smem:$0x3FB5] =	sst s10  }
0x38: {  	s10 =	sld [smem:$0x3FB6]  }
0x39: {  	_ = 	snop;
	(pc) =	sbr.ind lr, $3  }
0x3a: {  	_ = 	snop  }
0x3b: {  	_ = 	snop  }
0x3c: {  	p2 =	seq.s32 s10, $0x1;
	s10 =	sld [smem:$0x3FB5]  }
0x3d: {  	_ =	shalt  }
0x3e: {  	_ =	shalt  }
0x3f: {  	_ =	shalt  }
0x40: {  	_ =	shalt  }
0x41: {  	_ =	shalt  }
0x42: {  	_ =	shalt  }
0x43: {  	_ =	shalt  }
0x44: {  	_ =	shalt  }
0x45: {  	_ =	shalt  }
0x46: {  	_ =	shalt  }
0x47: {  	_ =	shalt  }
0x48: {  	_ =	shalt  }
0x49: {  	_ =	shalt  }
0x4a: {  	_ =	shalt  }
0x4b: {  	_ =	shalt  }
0x4c: {  	_ =	shalt  }
0x4d: {  	_ =	shalt  }
0x4e: {  	_ =	shalt  }
0x4f: {  	_ =	shalt  }
0x50: {  	_ =	shalt  }
0x51: {  	_ =	shalt  }
0x52: {  	_ =	shalt  }
0x53: {  	_ =	shalt  }
0x54: {  	_ =	shalt  }
0x55: {  	_ =	shalt  }
0x56: {  	_ =	shalt  }
0x57: {  	_ =	shalt  }
0x58: {  	_ =	shalt  }
0x59: {  	_ =	shalt  }
0x5a: {  	_ =	shalt  }
0x5b: {  	_ =	shalt  }
0x5c: {  	_ =	shalt  }
0x5d: {  	_ =	shalt  }
0x5e: {  	_ =	shalt  }
0x5f: {  	_ =	shalt  }
0x60: {  	_ =	shalt  }
0x61: {  	_ =	shalt  }
0x62: {  	_ =	shalt  }
0x63: {  	_ =	shalt  }
0x64: {  	_ =	shalt  }
0x65: {  	_ =	shalt  }
0x66: {  	_ =	shalt  }
0x67: {  	_ =	shalt  }
0x68: {  	_ =	shalt  }
0x69: {  	_ =	shalt  }
0x6a: {  	_ =	shalt  }
0x6b: {  	_ =	shalt  }
0x6c: {  	_ =	shalt  }
0x6d: {  	_ =	shalt  }
0x6e: {  	_ =	shalt  }
0x6f: {  	_ =	shalt  }
0x70: {  	_ =	shalt  }
0x71: {  	_ =	shalt  }
0x72: {  	_ =	shalt  }
0x73: {  	_ =	shalt  }
0x74: {  	_ =	shalt  }
0x75: {  	_ =	shalt  }
0x76: {  	_ =	shalt  }
0x77: {  	_ =	shalt  }
0x78: {  	_ =	shalt  }
0x79: {  	_ =	shalt  }
0x7a: {  	_ =	shalt  }
0x7b: {  	_ =	shalt  }
0x7c: {  	_ =	shalt  }
0x7d: {  	_ =	shalt  }
0x7e: {  	_ =	shalt  }
0x7f: {  	_ =	shalt  }
0x80: {  	_ =	shalt  }
0x81: {  	_ =	shalt  }
0x82: {  	_ =	shalt  }
0x83: {  	_ =	shalt  }
0x84: {  	_ =	shalt  }
0x85: {  	_ =	shalt  }
0x86: {  	_ =	shalt  }
0x87: {  	_ =	shalt  }
.Lfunc_end0:
.L_simem_size_0:
called_computation_lowered:
.L_overlay_start_0:
0x88: {  	s2 =	sld [smem:$0x3FD9]  }
0x89: {  	s3 =	sld [smem:$0x3FFE];
	_ =	sdelay $0x1  }
0x8a: {  	s1 =	srdreg.scid  }
0x8b: {  	s0 =	sand.u32 $0x1, s1  }
0x8c: {  	s17 =	sshll.u32 s0, $0xA;
	s2 =	sadd.s32 s3, s2  }
0x8d: {  	s2 =	sadd.s32 s2, s17  }
0x8e: {  	[smem:$0x3FC1] =	sst s2  }
0x8f: {  	_ = 	snop  }
0x90: {  	s2 =	sld [smem:$0x3FC9];
	(tm) =	ssettm $0x1  }
0x91: {  	s18 =	sld [smem:$0x3FFB];
	_ =	sdelay $0x3  }
0x92: {  	_ =	strace s18  }
0x93: {  	s3 =	sld [smem:$0x3FFC];
	_ =	sdelay $0x3  }
0x94: {  	_ =	strace s3  }
0x95: {  	s3 =	sld [smem:$0x3FFD];
	_ =	sdelay $0x3  }
0x96: {  	_ =	strace s3  }
0x97: {  	_ =	strace $0x8FFFFFFF  }
0x98: {  	s19 =	sld [smem:$0x3FDB];
	_ =	sdelay $0x1  }
0x99: {  	s4 =	simm.s32 $_scs_section_size  }
0x9a: {  	s5 =	simm.s32 $_size__tile_overlayer_lowered;
	s6 =	simm.s32 $_tile_overlayer_lowered  }
0x9b: {  	s22 =	simm.s32 $0x1BFF;
	s21 =	sshll.u32 s6, $0x1;
	s3 =	sadd.s32 s4, s19  }
0x9c: {  	s7 =	simm.s32 $0x0;
	s20 =	sshll.u32 s5, $0x1;
	s5 =	sadd.s32 s21, s3  }
0x9d: {  	[timem:s7], [sflag:s22] =	dma.local [hbm:s5], s20  }
0x9e: {  	_ =	swait.ge [sflag:s22], s20  }
0x9f: {  	s4 =	ssub.s32 $0x0, s20;
	[sflag:s22] =	ssyncset.done $0x0  }
0xa0: {  	[sflag:s22] =	ssyncadd.s32 s4;
	_ =	sdelay $0x1  }
0xa1: {  	s23 =	simm.s32 $0x1B8B  }
0xa2: {  	_ =	swait.ge [sflag:s23], $0x1  }
0xa3: {  	[sflag:s23] =	ssyncset.done $0x0  }
0xa4: {  	s25 =	simm.s32 $0x1B8E;
	s24 =	sld [smem:$0x3FFE];
	[sflag:s23] =	ssyncadd.s32 $0xFFFFFFFF  }
0xa5: {  	s26 =	simm.s32 $execute0_lowered;
	[smem:$0x3FD2] =	sst s25  }
0xa6: {  	s5 =	sshll.u32 s26, $0x1;
	_ =	strace $0x80000046;
	[dreg:$0x1] =	wrdreg $0xFFFFFFFF  }
0xa7: {  	s28 =	simm.s32 $_size_execute0_lowered;
	s3 =	sadd.s32 s3, s5;
	[dreg:$0x0] =	wrdreg $0x0  }
0xa8: {  	s5 =	sshll.u32 s28, $0x1;
	[dreg:$0x2] =	wrdreg s3  }
0xa9: {  	[dreg:$0x3] =	wrdreg s5  }
0xaa: {  	[dreg:$0x4] =	wrdreg $0xC0  }
0xab: {  	_ =	task [dreg:s7], $0x5FFFF  }
0xac: {  	[dreg:$0x1] =	wrdreg $0xFFFFFFFF  }
0xad: {  	[dreg:$0x0] =	wrdreg $0x60  }
0xae: {  	[dreg:$0x2] =	wrdreg s2  }
0xaf: {  	[dreg:$0x3] =	wrdreg s24  }
0xb0: {  	[dreg:$0x4] =	wrdreg $0x9  }
0xb1: {  	_ =	task.clear_ibuf [dreg:s7], $0x5FFFF;
	_ =	strace $0x90000046  }
0xb2: {  	s29 =	simm.s32 $0x9;
	_ =	strace $0x80000048  }
0xb3: {  	_ =	swait.ge [sflag:s29], $0x1  }
0xb4: {  	[sflag:s29] =	ssyncadd.s32 $0xFFFFFFFF  }
0xb5: {  	_ =	strace $0x90000048  }
0xb6: {  	_ =	sfence  }
0xb7: {  	s30 =	sld [smem:$0x0];
	_ =	sdelay $0x2  }
0xb8: {  	s31 =	sshll.u32 s1, $0xD;
	s1 =	sshrl.u32 s1, $0x2  }
0xb9: {  	s3 =	sand.u32 $0x4000, s31;
	s1 =	sadd.s32 s1, s30  }
0xba: {  	s0 =	sor.u32 s3, s0;
	s1 =	sshll.u32 s1, $0x11  }
0xbb: {  	s0 =	sor.u32 s1, s0  }
0xbc: {  	s0 =	sadd.s32 $0x8F2B, s0  }
0xbd: {  	[sflag:s0] =	ssyncadd.remote.s32 $0x1  }
0xbe: {  	_ =	sfence.sel $0xFFFF  }
0xbf: {  	[dreg:$0x0] =	wrdreg $0xFFFFFFFF;
	(pc) =	sbr.abs _section_cstart, $3  }
0xc0: {  	[dreg:$0x1] =	wrdreg $0xFFFFFFFF  }
0xc1: {  	_ =	task.clear_ibuf [dreg:s7], $0x2FFFF;
	_ =	strace $0x9FFFFFFF  }
0xc2: {  	(tm) =	ssettm $0x7FFFFFFF  }
0xc3: {  	_ =	shalt  }
tec
execute0_lowered:
.L_overlay_start_1:
0x0: {  	(tag) =	ssettag $0x1  }
0x1: {  	s0 =	rddreg [dreg:$0x0]  }
0x2: {  	s1 =	rddreg [dreg:$0x1]  }
0x3: {  	s3 =	srdreg.scid;
	s2 =	simm.s32 $0x0;
	s5 =	stileid.u32  }
0x4: {  	s23 =	simm.s32 $0x10000;
	s24 =	simm.s32 $0x10080;
	s25 =	simm.s32 $0x10100  }
0x5: {  	s26 =	simm.s32 $0x10180;
	s13 =	simm.s32 $0xD000;
	s14 =	simm.s32 $0xD800  }
0x6: {  	s15 =	simm.s32 $0xE000;
	s16 =	simm.s32 $0xE800;
	s28 =	simm.s32 $0x4000  }
0x7: {  	s29 =	simm.s32 $0x4800;
	s30 =	simm.s32 $0x5000;
	s31 =	simm.s32 $0x5800  }
0x8: {  	s4 =	sand.u32 $0x1, s3;
	[smem:$0x7FF] =	sst s2;
	s17 =	sshll.u32 s5, $0x7  }
0x9: {  	s6 =	sadd.s32 $0x1A00, s1;
	_ =	strace $0x80000047;
	[dreg:$0x9] =	wrdreg s23  }
0xa: {  	s9 =	sadd.s32 $0x1C00, s1;
	s3 =	sadd.s32 $0x11E00, s1;
	[dreg:$0xa] =	wrdreg s24  }
0xb: {  	s18 =	sshll.u32 s4, $0x6;
	s4 =	ssub.s32 $0x2, s4;
	[dreg:$0xb] =	wrdreg s25  }
0xc: {  	[dreg:$0xc] =	wrdreg s26;
	s25 =	simm.s32 $0x3000;
	s26 =	simm.s32 $0x3800  }
0xd: {  	s5 =	sor.u32 s18, s17;
	s22 =	sshrl.u32 s4, $0x1;
	s17 =	simm.s32 $0xF000  }
0xe: {  	s18 =	simm.s32 $0xF800;
	s7 =	sshrl.u32 s5, $0x3;
	s8 =	sor.u32 $0x20, s5  }
0xf: {  	s5 =	sshll.u32 s5, $0x7;
	s10 =	sadd.s32 s6, s7;
	s11 =	sshrl.u32 s8, $0x3  }
0x10: {  	s19 =	sadd.s32 s9, s7;
	s5 =	sadd.s32 s0, s5;
	s21 =	sshll.u32 s8, $0x7  }
0x11: {  	s7 =	ssub.s32 s4, s22;
	s4 =	sadd.s32 $0x11F00, s1;
	[dreg:$0x3] =	wrdreg s10  }
0x12: {  	s8 =	simm.s32 $0x3;
	s6 =	sadd.s32 s6, s11;
	[dreg:$0x5] =	wrdreg s19  }
0x13: {  	s20 =	sadd.s32 s9, s11;
	[dreg:$0x7] =	wrdreg s5;
	s0 =	sadd.s32 s0, s21  }
0x14: {  	v2 =	vlaneseq.u32;
	s5 =	sadd.s32 $0x12000, s1;
	s7 =	smax.u32 s7, $0x1;
	[dreg:$0x4] =	wrdreg s6  }
0x15: {  	vm0 =	vmmov $0xffff;
	v1 =	vshrl.u32 v2, $0x3;
	s9 =	simm.s32 $0x8000;
	s10 =	simm.s32 $0x1;
	[dreg:$0x6] =	wrdreg s20  }
0x16: {  	v0 =	vand.u32 $0x7, v2;
	v2 =	vor.u32 $0x8, v2;
	v1 =	vmul.u32 $0x8, v1;
	s19 =	simm.s32 $0x2;
	[dreg:$0x8] =	wrdreg s0;
	s6 =	sadd.s32 $0x12100, s1  }
.LBB2_1:
0x17: {  	s20 =	rddreg [dreg:$0x3]  }
0x18: {  	s21 =	rddreg [dreg:$0x9]  }
0x19: {  	[tilespmem:s21], [sflag:$0x3] =	stream.linear.gather [hbm4b:s20+s2], $0x20, $0x38;
	[tilespmem:$0x10200] =	vst v63  }
0x1a: {  	_ =	swait.ge [sflag:s8], $0x20  }
0x1b: {  	s0 =	rddreg [dreg:$0x4];
	[sflag:s8] =	ssyncset.done $0x0  }
0x1c: {  	s1 =	rddreg [dreg:$0xa];
	[sflag:s8] =	ssyncadd.s32 $0xFFFFFFE0  }
0x1d: {  	[tilespmem:s1], [sflag:$0x3] =	stream.linear.gather [hbm4b:s0+s2], $0x20, $0x38;
	[tilespmem:$0x10200] =	vst v63  }
0x1e: {  	_ =	swait.ge [sflag:s8], $0x20  }
0x1f: {  	s11 =	rddreg [dreg:$0x5];
	[sflag:s8] =	ssyncset.done $0x0  }
0x20: {  	s12 =	rddreg [dreg:$0xb];
	[sflag:s8] =	ssyncadd.s32 $0xFFFFFFE0  }
0x21: {  	[tilespmem:s12], [sflag:$0x3] =	stream.linear.gather [hbm4b:s11+s2], $0x20, $0x38;
	[tilespmem:$0x10200] =	vst v63  }
0x22: {  	_ =	swait.ge [sflag:s8], $0x20  }
0x23: {  	s21 =	rddreg [dreg:$0x6];
	[sflag:s8] =	ssyncset.done $0x0  }
0x24: {  	s22 =	rddreg [dreg:$0xc];
	[sflag:s8] =	ssyncadd.s32 $0xFFFFFFE0  }
0x25: {  	[tilespmem:s22], [sflag:$0x3] =	stream.linear.gather [hbm4b:s21+s2], $0x20, $0x38;
	[tilespmem:$0x10200] =	vst v63  }
0x26: {  	_ =	swait.ge [sflag:s8], $0x20  }
0x27: {  	[sflag:s8] =	ssyncset.done $0x0  }
0x28: {  	s23 =	rddreg [dreg:$0x7];
	[sflag:s8] =	ssyncadd.s32 $0xFFFFFFE0  }
0x29: {  	[tilespmem:s2], [sflag:$0x1] =	stream.linear.gather [hbm4b:s23+s2], $0x8000, $0x38;
	[tilespmem:$0x10200] =	vst v63  }
0x2a: {  	s24 =	rddreg [dreg:$0x8]  }
0x2b: {  	[tilespmem:s9], [sflag:$0x1] =	stream.linear.gather [hbm4b:s24+s2], $0x8000, $0x38;
	[tilespmem:$0x10200] =	vst v63  }
0x2c: {  	_ =	swait.ge [sflag:s10], $0x8000  }
0x2d: {  	[sflag:s10] =	ssyncset.done $0x0  }
0x2e: {  	[sflag:s10] =	ssyncadd.s32 $0xFFFF8000  }
0x2f: {  	v3 =	vld [tilespmem:$0x10000];
	_ =	sdelay $0x4  }
0x30: {  	v4 =	vshll.u32 v3, $0x3  }
0x31: {  	v3 =	vand.u32 $0x7, v3;
	v4 =	vand.u32 $0xFFFFFFC0, v4  }
0x32: {  	v3 =	vor.u32 v3, v4  }
0x33: {  	v4 =	vperm.xlane v3, v0;
	_ =	sdelay $0x1  }
0x34: {  	v4 =	vadd.s32 v1, v4;
	_ =	sdelay $0x4  }
0x35: {  	[hbm4b:s3+s2] =	stream.indirect_vreg.scatter [tilespmem:s2], [sflag:$0x2], $0x80, v4, vm0, $0xb8;
	[tilespmem:$0x10200] =	vst v63  }
0x36: {  	s20 =	simm.s32 $0x800;
	v3 =	vperm.xlane v3, v2  }
0x37: {  	[hbm4b:s4+s2] =	stream.indirect_vreg.scatter [tilespmem:s20], [sflag:$0x2], $0x80, v4, vm0, $0xb8;
	[tilespmem:$0x10200] =	vst v63  }
0x38: {  	s21 =	simm.s32 $0x1000;
	v3 =	vadd.s32 v1, v3  }
0x39: {  	[hbm4b:s5+s2] =	stream.indirect_vreg.scatter [tilespmem:s21], [sflag:$0x2], $0x80, v4, vm0, $0xb8;
	[tilespmem:$0x10200] =	vst v63  }
0x3a: {  	s22 =	simm.s32 $0x1800  }
0x3b: {  	[hbm4b:s6+s2] =	stream.indirect_vreg.scatter [tilespmem:s22], [sflag:$0x2], $0x80, v4, vm0, $0xb8;
	[tilespmem:$0x10200] =	vst v63  }
0x3c: {  	s23 =	simm.s32 $0x2000  }
0x3d: {  	[hbm4b:s3+s2] =	stream.indirect_vreg.scatter [tilespmem:s23], [sflag:$0x2], $0x80, v3, vm0, $0xb8;
	[tilespmem:$0x10200] =	vst v63  }
0x3e: {  	s24 =	simm.s32 $0x2800  }
0x3f: {  	[hbm4b:s4+s2] =	stream.indirect_vreg.scatter [tilespmem:s24], [sflag:$0x2], $0x80, v3, vm0, $0xb8;
	[tilespmem:$0x10200] =	vst v63  }
0x40: {  	_ = 	snop  }
0x41: {  	[hbm4b:s5+s2] =	stream.indirect_vreg.scatter [tilespmem:s25], [sflag:$0x2], $0x80, v3, vm0, $0xb8;
	[tilespmem:$0x10200] =	vst v63  }
0x42: {  	_ = 	snop  }
0x43: {  	[hbm4b:s6+s2] =	stream.indirect_vreg.scatter [tilespmem:s26], [sflag:$0x2], $0x80, v3, vm0, $0xb8;
	[tilespmem:$0x10200] =	vst v63  }
0x44: {  	v3 =	vld [tilespmem:$0x10010];
	_ =	sdelay $0x4  }
0x45: {  	v57 =	vshll.u32 v3, $0x3  }
0x46: {  	v3 =	vand.u32 $0x7, v3;
	v4 =	vand.u32 $0xFFFFFFC0, v57  }
0x47: {  	v3 =	vor.u32 v3, v4  }
0x48: {  	v4 =	vperm.xlane v3, v0;
	_ =	sdelay $0x1  }
0x49: {  	v4 =	vadd.s32 v1, v4;
	_ =	sdelay $0x4  }
0x4a: {  	[hbm4b:s3+s2] =	stream.indirect_vreg.scatter [tilespmem:s28], [sflag:$0x2], $0x80, v4, vm0, $0xb8;
	[tilespmem:$0x10200] =	vst v63  }
0x4b: {  	v3 =	vperm.xlane v3, v2  }
0x4c: {  	[hbm4b:s4+s2] =	stream.indirect_vreg.scatter [tilespmem:s29], [sflag:$0x2], $0x80, v4, vm0, $0xb8;
	[tilespmem:$0x10200] =	vst v63  }
0x4d: {  	v3 =	vadd.s32 v1, v3  }
0x4e: {  	[hbm4b:s5+s2] =	stream.indirect_vreg.scatter [tilespmem:s30], [sflag:$0x2], $0x80, v4, vm0, $0xb8;
	[tilespmem:$0x10200] =	vst v63  }
0x4f: {  	_ = 	snop  }
0x50: {  	[hbm4b:s6+s2] =	stream.indirect_vreg.scatter [tilespmem:s31], [sflag:$0x2], $0x80, v4, vm0, $0xb8;
	[tilespmem:$0x10200] =	vst v63  }
0x51: {  	s0 =	simm.s32 $0x6000  }
0x52: {  	[hbm4b:s3+s2] =	stream.indirect_vreg.scatter [tilespmem:s0], [sflag:$0x2], $0x80, v3, vm0, $0xb8;
	[tilespmem:$0x10200] =	vst v63  }
0x53: {  	s1 =	simm.s32 $0x6800  }
0x54: {  	[hbm4b:s4+s2] =	stream.indirect_vreg.scatter [tilespmem:s1], [sflag:$0x2], $0x80, v3, vm0, $0xb8;
	[tilespmem:$0x10200] =	vst v63  }
0x55: {  	s11 =	simm.s32 $0x7000  }
0x56: {  	[hbm4b:s5+s2] =	stream.indirect_vreg.scatter [tilespmem:s11], [sflag:$0x2], $0x80, v3, vm0, $0xb8;
	[tilespmem:$0x10200] =	vst v63  }
0x57: {  	s12 =	simm.s32 $0x7800  }
0x58: {  	[hbm4b:s6+s2] =	stream.indirect_vreg.scatter [tilespmem:s12], [sflag:$0x2], $0x80, v3, vm0, $0xb8;
	[tilespmem:$0x10200] =	vst v63  }
0x59: {  	v3 =	vld [tilespmem:$0x10100];
	_ =	sdelay $0x4  }
0x5a: {  	v58 =	vshll.u32 v3, $0x3  }
0x5b: {  	v3 =	vand.u32 $0x7, v3;
	v4 =	vand.u32 $0xFFFFFFC0, v58  }
0x5c: {  	v3 =	vor.u32 v3, v4  }
0x5d: {  	v4 =	vperm.xlane v3, v0;
	_ =	sdelay $0x1  }
0x5e: {  	v4 =	vadd.s32 v1, v4;
	_ =	sdelay $0x4  }
0x5f: {  	[hbm4b:s3+s2] =	stream.indirect_vreg.scatter [tilespmem:s2], [sflag:$0x2], $0x80, v4, vm0, $0xb8;
	[tilespmem:$0x10200] =	vst v63  }
0x60: {  	v3 =	vperm.xlane v3, v2  }
0x61: {  	[hbm4b:s4+s2] =	stream.indirect_vreg.scatter [tilespmem:s20], [sflag:$0x2], $0x80, v4, vm0, $0xb8;
	[tilespmem:$0x10200] =	vst v63  }
0x62: {  	v3 =	vadd.s32 v1, v3  }
0x63: {  	[hbm4b:s5+s2] =	stream.indirect_vreg.scatter [tilespmem:s21], [sflag:$0x2], $0x80, v4, vm0, $0xb8;
	[tilespmem:$0x10200] =	vst v63  }
0x64: {  	_ = 	snop  }
0x65: {  	[hbm4b:s6+s2] =	stream.indirect_vreg.scatter [tilespmem:s22], [sflag:$0x2], $0x80, v4, vm0, $0xb8;
	[tilespmem:$0x10200] =	vst v63  }
0x66: {  	_ = 	snop  }
0x67: {  	[hbm4b:s3+s2] =	stream.indirect_vreg.scatter [tilespmem:s23], [sflag:$0x2], $0x80, v3, vm0, $0xb8;
	[tilespmem:$0x10200] =	vst v63  }
0x68: {  	_ = 	snop  }
0x69: {  	[hbm4b:s4+s2] =	stream.indirect_vreg.scatter [tilespmem:s24], [sflag:$0x2], $0x80, v3, vm0, $0xb8;
	[tilespmem:$0x10200] =	vst v63  }
0x6a: {  	_ = 	snop  }
0x6b: {  	[hbm4b:s5+s2] =	stream.indirect_vreg.scatter [tilespmem:s25], [sflag:$0x2], $0x80, v3, vm0, $0xb8;
	[tilespmem:$0x10200] =	vst v63  }
0x6c: {  	_ = 	snop  }
0x6d: {  	[hbm4b:s6+s2] =	stream.indirect_vreg.scatter [tilespmem:s26], [sflag:$0x2], $0x80, v3, vm0, $0xb8;
	[tilespmem:$0x10200] =	vst v63  }
0x6e: {  	v3 =	vld [tilespmem:$0x10110];
	_ =	sdelay $0x4  }
0x6f: {  	v59 =	vshll.u32 v3, $0x3  }
0x70: {  	v3 =	vand.u32 $0x7, v3;
	v4 =	vand.u32 $0xFFFFFFC0, v59  }
0x71: {  	v3 =	vor.u32 v3, v4  }
0x72: {  	v4 =	vperm.xlane v3, v0;
	_ =	sdelay $0x1  }
0x73: {  	v4 =	vadd.s32 v1, v4;
	_ =	sdelay $0x4  }
0x74: {  	[hbm4b:s3+s2] =	stream.indirect_vreg.scatter [tilespmem:s28], [sflag:$0x2], $0x80, v4, vm0, $0xb8;
	[tilespmem:$0x10200] =	vst v63  }
0x75: {  	v3 =	vperm.xlane v3, v2  }
0x76: {  	[hbm4b:s4+s2] =	stream.indirect_vreg.scatter [tilespmem:s29], [sflag:$0x2], $0x80, v4, vm0, $0xb8;
	[tilespmem:$0x10200] =	vst v63  }
0x77: {  	v3 =	vadd.s32 v1, v3  }
0x78: {  	[hbm4b:s5+s2] =	stream.indirect_vreg.scatter [tilespmem:s30], [sflag:$0x2], $0x80, v4, vm0, $0xb8;
	[tilespmem:$0x10200] =	vst v63  }
0x79: {  	_ = 	snop  }
0x7a: {  	[hbm4b:s6+s2] =	stream.indirect_vreg.scatter [tilespmem:s31], [sflag:$0x2], $0x80, v4, vm0, $0xb8;
	[tilespmem:$0x10200] =	vst v63  }
0x7b: {  	_ = 	snop  }
0x7c: {  	[hbm4b:s3+s2] =	stream.indirect_vreg.scatter [tilespmem:s0], [sflag:$0x2], $0x80, v3, vm0, $0xb8;
	[tilespmem:$0x10200] =	vst v63  }
0x7d: {  	_ = 	snop  }
0x7e: {  	[hbm4b:s4+s2] =	stream.indirect_vreg.scatter [tilespmem:s1], [sflag:$0x2], $0x80, v3, vm0, $0xb8;
	[tilespmem:$0x10200] =	vst v63  }
0x7f: {  	_ = 	snop  }
0x80: {  	[hbm4b:s5+s2] =	stream.indirect_vreg.scatter [tilespmem:s11], [sflag:$0x2], $0x80, v3, vm0, $0xb8;
	[tilespmem:$0x10200] =	vst v63  }
0x81: {  	_ = 	snop  }
0x82: {  	[hbm4b:s6+s2] =	stream.indirect_vreg.scatter [tilespmem:s12], [sflag:$0x2], $0x80, v3, vm0, $0xb8;
	[tilespmem:$0x10200] =	vst v63  }
0x83: {  	_ =	swait.ge [sflag:s10], $0x8000  }
0x84: {  	[sflag:s10] =	ssyncset.done $0x0  }
0x85: {  	[sflag:s10] =	ssyncadd.s32 $0xFFFF8000  }
0x86: {  	v3 =	vld [tilespmem:$0x10080];
	_ =	sdelay $0x4  }
0x87: {  	v60 =	vshll.u32 v3, $0x3  }
0x88: {  	v3 =	vand.u32 $0x7, v3;
	v4 =	vand.u32 $0xFFFFFFC0, v60  }
0x89: {  	v3 =	vor.u32 v3, v4  }
0x8a: {  	v4 =	vperm.xlane v3, v0;
	_ =	sdelay $0x1  }
0x8b: {  	v4 =	vadd.s32 v1, v4;
	_ =	sdelay $0x4  }
0x8c: {  	[hbm4b:s3+s2] =	stream.indirect_vreg.scatter [tilespmem:s9], [sflag:$0x2], $0x80, v4, vm0, $0xb8;
	[tilespmem:$0x10200] =	vst v63  }
0x8d: {  	s0 =	simm.s32 $0x8800;
	v3 =	vperm.xlane v3, v2  }
0x8e: {  	[hbm4b:s4+s2] =	stream.indirect_vreg.scatter [tilespmem:s0], [sflag:$0x2], $0x80, v4, vm0, $0xb8;
	[tilespmem:$0x10200] =	vst v63  }
0x8f: {  	s1 =	simm.s32 $0x9000;
	v3 =	vadd.s32 v1, v3  }
0x90: {  	[hbm4b:s5+s2] =	stream.indirect_vreg.scatter [tilespmem:s1], [sflag:$0x2], $0x80, v4, vm0, $0xb8;
	[tilespmem:$0x10200] =	vst v63  }
0x91: {  	s11 =	simm.s32 $0x9800  }
0x92: {  	[hbm4b:s6+s2] =	stream.indirect_vreg.scatter [tilespmem:s11], [sflag:$0x2], $0x80, v4, vm0, $0xb8;
	[tilespmem:$0x10200] =	vst v63  }
0x93: {  	s12 =	simm.s32 $0xA000  }
0x94: {  	[hbm4b:s3+s2] =	stream.indirect_vreg.scatter [tilespmem:s12], [sflag:$0x2], $0x80, v3, vm0, $0xb8;
	[tilespmem:$0x10200] =	vst v63  }
0x95: {  	s20 =	simm.s32 $0xA800  }
0x96: {  	[hbm4b:s4+s2] =	stream.indirect_vreg.scatter [tilespmem:s20], [sflag:$0x2], $0x80, v3, vm0, $0xb8;
	[tilespmem:$0x10200] =	vst v63  }
0x97: {  	s21 =	simm.s32 $0xB000  }
0x98: {  	[hbm4b:s5+s2] =	stream.indirect_vreg.scatter [tilespmem:s21], [sflag:$0x2], $0x80, v3, vm0, $0xb8;
	[tilespmem:$0x10200] =	vst v63  }
0x99: {  	s22 =	simm.s32 $0xB800  }
0x9a: {  	[hbm4b:s6+s2] =	stream.indirect_vreg.scatter [tilespmem:s22], [sflag:$0x2], $0x80, v3, vm0, $0xb8;
	[tilespmem:$0x10200] =	vst v63  }
0x9b: {  	v3 =	vld [tilespmem:$0x10090];
	_ =	sdelay $0x4  }
0x9c: {  	v61 =	vshll.u32 v3, $0x3  }
0x9d: {  	v3 =	vand.u32 $0x7, v3;
	v4 =	vand.u32 $0xFFFFFFC0, v61  }
0x9e: {  	v3 =	vor.u32 v3, v4  }
0x9f: {  	v4 =	vperm.xlane v3, v0;
	_ =	sdelay $0x1  }
0xa0: {  	v4 =	vadd.s32 v1, v4;
	_ =	sdelay $0x3  }
0xa1: {  	s23 =	simm.s32 $0xC000  }
0xa2: {  	[hbm4b:s3+s2] =	stream.indirect_vreg.scatter [tilespmem:s23], [sflag:$0x2], $0x80, v4, vm0, $0xb8;
	[tilespmem:$0x10200] =	vst v63  }
0xa3: {  	s24 =	simm.s32 $0xC800;
	v3 =	vperm.xlane v3, v2  }
0xa4: {  	[hbm4b:s4+s2] =	stream.indirect_vreg.scatter [tilespmem:s24], [sflag:$0x2], $0x80, v4, vm0, $0xb8;
	[tilespmem:$0x10200] =	vst v63  }
0xa5: {  	v3 =	vadd.s32 v1, v3  }
0xa6: {  	[hbm4b:s5+s2] =	stream.indirect_vreg.scatter [tilespmem:s13], [sflag:$0x2], $0x80, v4, vm0, $0xb8;
	[tilespmem:$0x10200] =	vst v63  }
0xa7: {  	_ = 	snop  }
0xa8: {  	[hbm4b:s6+s2] =	stream.indirect_vreg.scatter [tilespmem:s14], [sflag:$0x2], $0x80, v4, vm0, $0xb8;
	[tilespmem:$0x10200] =	vst v63  }
0xa9: {  	_ = 	snop  }
0xaa: {  	[hbm4b:s3+s2] =	stream.indirect_vreg.scatter [tilespmem:s15], [sflag:$0x2], $0x80, v3, vm0, $0xb8;
	[tilespmem:$0x10200] =	vst v63  }
0xab: {  	_ = 	snop  }
0xac: {  	[hbm4b:s4+s2] =	stream.indirect_vreg.scatter [tilespmem:s16], [sflag:$0x2], $0x80, v3, vm0, $0xb8;
	[tilespmem:$0x10200] =	vst v63  }
0xad: {  	_ = 	snop  }
0xae: {  	[hbm4b:s5+s2] =	stream.indirect_vreg.scatter [tilespmem:s17], [sflag:$0x2], $0x80, v3, vm0, $0xb8;
	[tilespmem:$0x10200] =	vst v63  }
0xaf: {  	_ = 	snop  }
0xb0: {  	[hbm4b:s6+s2] =	stream.indirect_vreg.scatter [tilespmem:s18], [sflag:$0x2], $0x80, v3, vm0, $0xb8;
	[tilespmem:$0x10200] =	vst v63  }
0xb1: {  	v3 =	vld [tilespmem:$0x10180];
	_ =	sdelay $0x4  }
0xb2: {  	v62 =	vshll.u32 v3, $0x3  }
0xb3: {  	v3 =	vand.u32 $0x7, v3;
	v4 =	vand.u32 $0xFFFFFFC0, v62  }
0xb4: {  	v3 =	vor.u32 v3, v4  }
0xb5: {  	v4 =	vperm.xlane v3, v0;
	_ =	sdelay $0x1  }
0xb6: {  	v4 =	vadd.s32 v1, v4;
	_ =	sdelay $0x4  }
0xb7: {  	[hbm4b:s3+s2] =	stream.indirect_vreg.scatter [tilespmem:s9], [sflag:$0x2], $0x80, v4, vm0, $0xb8;
	[tilespmem:$0x10200] =	vst v63  }
0xb8: {  	v3 =	vperm.xlane v3, v2  }
0xb9: {  	[hbm4b:s4+s2] =	stream.indirect_vreg.scatter [tilespmem:s0], [sflag:$0x2], $0x80, v4, vm0, $0xb8;
	[tilespmem:$0x10200] =	vst v63  }
0xba: {  	v3 =	vadd.s32 v1, v3  }
0xbb: {  	[hbm4b:s5+s2] =	stream.indirect_vreg.scatter [tilespmem:s1], [sflag:$0x2], $0x80, v4, vm0, $0xb8;
	[tilespmem:$0x10200] =	vst v63  }
0xbc: {  	_ = 	snop  }
0xbd: {  	[hbm4b:s6+s2] =	stream.indirect_vreg.scatter [tilespmem:s11], [sflag:$0x2], $0x80, v4, vm0, $0xb8;
	[tilespmem:$0x10200] =	vst v63  }
0xbe: {  	_ = 	snop  }
0xbf: {  	[hbm4b:s3+s2] =	stream.indirect_vreg.scatter [tilespmem:s12], [sflag:$0x2], $0x80, v3, vm0, $0xb8;
	[tilespmem:$0x10200] =	vst v63  }
0xc0: {  	_ = 	snop  }
0xc1: {  	[hbm4b:s4+s2] =	stream.indirect_vreg.scatter [tilespmem:s20], [sflag:$0x2], $0x80, v3, vm0, $0xb8;
	[tilespmem:$0x10200] =	vst v63  }
0xc2: {  	_ = 	snop  }
0xc3: {  	[hbm4b:s5+s2] =	stream.indirect_vreg.scatter [tilespmem:s21], [sflag:$0x2], $0x80, v3, vm0, $0xb8;
	[tilespmem:$0x10200] =	vst v63  }
0xc4: {  	_ = 	snop  }
0xc5: {  	[hbm4b:s6+s2] =	stream.indirect_vreg.scatter [tilespmem:s22], [sflag:$0x2], $0x80, v3, vm0, $0xb8;
	[tilespmem:$0x10200] =	vst v63  }
0xc6: {  	v3 =	vld [tilespmem:$0x10190];
	_ =	sdelay $0x4  }
0xc7: {  	v63 =	vshll.u32 v3, $0x3  }
0xc8: {  	v3 =	vand.u32 $0x7, v3;
	v4 =	vand.u32 $0xFFFFFFC0, v63  }
0xc9: {  	v3 =	vor.u32 v3, v4  }
0xca: {  	v4 =	vperm.xlane v3, v0;
	_ =	sdelay $0x1  }
0xcb: {  	v4 =	vadd.s32 v1, v4;
	_ =	sdelay $0x4  }
0xcc: {  	[hbm4b:s3+s2] =	stream.indirect_vreg.scatter [tilespmem:s23], [sflag:$0x2], $0x80, v4, vm0, $0xb8;
	[tilespmem:$0x10200] =	vst v63  }
0xcd: {  	v3 =	vperm.xlane v3, v2  }
0xce: {  	[hbm4b:s4+s2] =	stream.indirect_vreg.scatter [tilespmem:s24], [sflag:$0x2], $0x80, v4, vm0, $0xb8;
	[tilespmem:$0x10200] =	vst v63  }
0xcf: {  	v3 =	vadd.s32 v1, v3  }
0xd0: {  	[hbm4b:s5+s2] =	stream.indirect_vreg.scatter [tilespmem:s13], [sflag:$0x2], $0x80, v4, vm0, $0xb8;
	[tilespmem:$0x10200] =	vst v63  }
0xd1: {  	_ = 	snop  }
0xd2: {  	[hbm4b:s6+s2] =	stream.indirect_vreg.scatter [tilespmem:s14], [sflag:$0x2], $0x80, v4, vm0, $0xb8;
	[tilespmem:$0x10200] =	vst v63  }
0xd3: {  	_ = 	snop  }
0xd4: {  	[hbm4b:s3+s2] =	stream.indirect_vreg.scatter [tilespmem:s15], [sflag:$0x2], $0x80, v3, vm0, $0xb8;
	[tilespmem:$0x10200] =	vst v63  }
0xd5: {  	_ = 	snop  }
0xd6: {  	[hbm4b:s4+s2] =	stream.indirect_vreg.scatter [tilespmem:s16], [sflag:$0x2], $0x80, v3, vm0, $0xb8;
	[tilespmem:$0x10200] =	vst v63  }
0xd7: {  	_ = 	snop  }
0xd8: {  	[hbm4b:s5+s2] =	stream.indirect_vreg.scatter [tilespmem:s17], [sflag:$0x2], $0x80, v3, vm0, $0xb8;
	[tilespmem:$0x10200] =	vst v63  }
0xd9: {  	_ = 	snop  }
0xda: {  	[hbm4b:s6+s2] =	stream.indirect_vreg.scatter [tilespmem:s18], [sflag:$0x2], $0x80, v3, vm0, $0xb8;
	[tilespmem:$0x10200] =	vst v63  }
0xdb: {  	_ =	swait.ge [sflag:s19], $0x8000  }
0xdc: {  	[sflag:s19] =	ssyncset.done $0x0  }
0xdd: {  	[sflag:s19] =	ssyncadd.s32 $0xFFFF8000  }
0xde: {  	_ =	swait.ge [sflag:s19], $0x8000  }
0xdf: {  	[sflag:s19] =	ssyncset.done $0x0  }
0xe0: {  	[sflag:s19] =	ssyncadd.s32 $0xFFFF8000  }
0xe1: {  	p0 =	sne.s32 s7, $0x1;
	_ =	swait.ge [sflag:s19], $0x8000  }
.Ltmp0:
0xe2: {  	[sflag:s19] =	ssyncset.done $0x0;
	(pc) =	sbr.rel @p0 .LBB2_1-.Ltmp0, $4  }
0xe3: {  	[sflag:s19] =	ssyncadd.s32 $0xFFFF8000  }
0xe4: {  	_ =	swait.ge [sflag:s19], $0x8000  }
0xe5: {  	[sflag:s19] =	ssyncset.done $0x0  }
0xe6: {  	s7 =	sadd.s32 $0xFFFFFFFF, s7;
	[sflag:s19] =	ssyncadd.s32 $0xFFFF8000  }
0xe7: {  	_ =	sfence.sel $0x180000  }
0xe8: {  	[bflag:$0x0] =	sbarrier.arrive $0xFFFF  }
0xe9: {  	_ =	strace $0x90000047  }
0xea: {  	s0 =	stileid.u32;
	[bflag:$0x2] =	sbarrier.arrive $0xFFFF  }
0xeb: {  	p0 =	sne.s32 s0, $0x0;
	s0 =	rddreg [dreg:$0x2]  }
0xec: {  	s0 =	sadd.s32 @!p0 $0x100000, s0  }
0xed: {  	[sflag:s0] =	ssyncadd.tile.s32 @!p0 $0x1;
	_ =	shalt  }
.Lfunc_end2:
_tile_overlayer_lowered:
.L_overlay_start_2:
0xee: {  	(tag) =	ssettag $0x2  }
0xef: {  	s0 =	rddreg [dreg:$0x0];
	s2 =	stileid.u32  }
0xf0: {  	s1 =	rddreg [dreg:$0x1];
	p0 =	sne.s32 s2, $0x0  }
0xf1: {  	s3 =	rddreg [dreg:$0x2];
	[bflag:$0x3] =	sbarrier.arrive $0xFFFF;
	s2 =	simm.s32 @!p0 $0x1C03  }
0xf2: {  	[timem:s3], [sflag:s2] =	dma.local @!p0 [hbm:s0], s1  }
0xf3: {  	s0 =	simm.s32 @!p0 $0x3  }
0xf4: {  	_ =	swait.ge @!p0 [sflag:s0], s1  }
0xf5: {  	s1 =	ssub.s32 @!p0 $0x0, s1;
	[sflag:s0] =	ssyncset.done @!p0 $0x0  }
0xf6: {  	[sflag:s0] =	ssyncadd.s32 @!p0 s1  }
0xf7: {  	[bflag:$0x3] =	sbarrier.arrive $0xFFFF  }
0xf8: {  	_ =	shalt  }

// kernel: kernel.9.cloned.1.call-start
scs
__scs_entry_jumppad:
0x0: {  	(pc) =	sbr.rel $0x88, $3  }
0x1: {  	(tag) =	ssettag $0x0;
	lr =	simm.s32 $0x1  }
0x2: {  	[smem:$0x3F9A] =	sst lr;
	_ =	strace $0xD0000000  }
0x3: {  	_ = 	snop  }
0x4: {  	_ = 	snop  }
0x5: {  	_ = 	snop  }
0x6: {  	_ = 	snop  }
0x7: {  	_ = 	snop  }
__scs_overlays_trampoline_lowered:
0x8: {  	[smem:$0x3FA9] =	sst s0  }
0x9: {  	[smem:$0x3FAA] =	sst s1  }
0xa: {  	[smem:$0x3FAB] =	sst s2  }
0xb: {  	[smem:$0x3FAC] =	sst s3  }
0xc: {  	[smem:$0x3FAD] =	sst s4  }
0xd: {  	[smem:$0x3FAE] =	sst s5  }
0xe: {  	[smem:$0x3FAF] =	sst s6  }
0xf: {  	[smem:$0x3FB0] =	sst s7  }
0x10: {  	[smem:$0x3FB1] =	sst s8  }
0x11: {  	[smem:$0x3FB2] =	sst s9;
	s0 =	simm.s32 @!p0 $0x0  }
0x12: {  	s1 =	sld [smem:$0x3F98];
	s0 =	simm.s32 @p0 $0x1  }
0x13: {  	[smem:$0x3FB3] =	sst s0;
	s0 =	simm.s32 @!p1 $0x0  }
0x14: {  	s2 =	sld [smem:$0x3F97];
	s0 =	simm.s32 @p1 $0x1  }
0x15: {  	[smem:$0x3FB4] =	sst s0;
	s0 =	simm.s32 @!p2 $0x0  }
0x16: {  	s3 =	sld [smem:$0x3FDB];
	s0 =	simm.s32 @p2 $0x1  }
0x17: {  	s4 =	simm.s32 $0x1BF5;
	[smem:$0x3FB6] =	sst s0  }
0x18: {  	s0 =	sld [smem:$0x3F99];
	_ =	swait.ge [sflag:s4], $0x0  }
0x19: {  	s7 =	sld [smem:$0x3F9A]  }
0x1a: {  	s8 =	sadd.s32 $0xFFFFE003, lr  }
0x1b: {  	s9 =	sadd.s32 $0xFFFFFEF7, lr;
	s5 =	simm.s32 $0xFFFFFFFF;
	p2 =	slt.u32 s8, $0xFFFFF086  }
0x1c: {  	p1 =	slt.u32 s9, $0xF7A;
	s5 =	simm.s32 @!p2 $0x0  }
0x1d: {  	s5 =	simm.s32 @p1 $0x1;
	p0 =	seq.s32 s7, s2  }
0x1e: {  	s7 =	smul.u32 @!p0 $0xF7A, s2;
	p2 =	seq.s32 @!p0 s5, $0x0  }
0x1f: {  	s9 =	smul.u32 $0xF7A, s1;
	s8 =	simm.s32 @!p0 $0x1BF5;
	p2 =	por !p2, p0  }
0x20: {  	[sflag:s8] =	ssyncset.s32 @!p0 $0xFFFFF086;
	s6 =	sadd.s32 @!p0 s3, s7;
	s7 =	simm.s32 @!p0 $0x108  }
0x21: {  	s3 =	sadd.s32 s3, s9;
	s6 =	sadd.s32 @!p0 $0x88, s6;
	s7 =	simm.s32 @p2 $0x1082  }
0x22: {  	[simem:s7], [sflag:s8] =	dma.local @!p0 [hbm:s6], $0xF7A  }
0x23: {  	s9 =	sor.u32 $0xD0000000, s2;
	s6 =	simm.s32 $0x108;
	_ =	swait.ge @!p0 [sflag:s8], $0x0  }
0x24: {  	s3 =	sadd.s32 $0x88, s3;
	s6 =	simm.s32 @!p1 $0x1082;
	[sflag:s4] =	ssyncset.s32 $0xFFFFF086  }
0x25: {  	[simem:s6], [sflag:s4] =	dma.local [hbm:s3], $0xF7A  }
0x26: {  	[smem:$0x3F9A] =	sst s1;
	(tag) =	ssettag s2;
	_ =	strace s9  }
0x27: {  	s1 =	sld [smem:$0x3FAA]  }
0x28: {  	s2 =	sld [smem:$0x3FAB]  }
0x29: {  	s4 =	sld [smem:$0x3FAD]  }
0x2a: {  	p0 =	seq.s32 s5, $0x0;
	s5 =	sld [smem:$0x3FAE]  }
0x2b: {  	s6 =	sld [smem:$0x3FAF]  }
0x2c: {  	s7 =	sld [smem:$0x3FB0]  }
0x2d: {  	s3 =	simm.s32 $0x108;
	s8 =	sld [smem:$0x3FB1]  }
0x2e: {  	s3 =	simm.s32 @!p0 $0x1082;
	s9 =	sld [smem:$0x3FB2]  }
0x2f: {  	lr =	sadd.s32 s0, s3;
	s0 =	sld [smem:$0x3FA9]  }
0x30: {  	s3 =	sld [smem:$0x3FAC]  }
0x31: {  	[smem:$0x3FB5] =	sst s10  }
0x32: {  	s10 =	sld [smem:$0x3FB3];
	_ =	sdelay $0x3  }
0x33: {  	p0 =	seq.s32 s10, $0x1;
	s10 =	sld [smem:$0x3FB5];
	_ =	sdelay $0x3  }
0x34: {  	[smem:$0x3FB5] =	sst s10  }
0x35: {  	s10 =	sld [smem:$0x3FB4];
	_ =	sdelay $0x3  }
0x36: {  	p1 =	seq.s32 s10, $0x1;
	s10 =	sld [smem:$0x3FB5];
	_ =	sdelay $0x3  }
0x37: {  	[smem:$0x3FB5] =	sst s10  }
0x38: {  	s10 =	sld [smem:$0x3FB6]  }
0x39: {  	_ = 	snop;
	(pc) =	sbr.ind lr, $3  }
0x3a: {  	_ = 	snop  }
0x3b: {  	_ = 	snop  }
0x3c: {  	p2 =	seq.s32 s10, $0x1;
	s10 =	sld [smem:$0x3FB5]  }
0x3d: {  	_ =	shalt  }
0x3e: {  	_ =	shalt  }
0x3f: {  	_ =	shalt  }
0x40: {  	_ =	shalt  }
0x41: {  	_ =	shalt  }
0x42: {  	_ =	shalt  }
0x43: {  	_ =	shalt  }
0x44: {  	_ =	shalt  }
0x45: {  	_ =	shalt  }
0x46: {  	_ =	shalt  }
0x47: {  	_ =	shalt  }
0x48: {  	_ =	shalt  }
0x49: {  	_ =	shalt  }
0x4a: {  	_ =	shalt  }
0x4b: {  	_ =	shalt  }
0x4c: {  	_ =	shalt  }
0x4d: {  	_ =	shalt  }
0x4e: {  	_ =	shalt  }
0x4f: {  	_ =	shalt  }
0x50: {  	_ =	shalt  }
0x51: {  	_ =	shalt  }
0x52: {  	_ =	shalt  }
0x53: {  	_ =	shalt  }
0x54: {  	_ =	shalt  }
0x55: {  	_ =	shalt  }
0x56: {  	_ =	shalt  }
0x57: {  	_ =	shalt  }
0x58: {  	_ =	shalt  }
0x59: {  	_ =	shalt  }
0x5a: {  	_ =	shalt  }
0x5b: {  	_ =	shalt  }
0x5c: {  	_ =	shalt  }
0x5d: {  	_ =	shalt  }
0x5e: {  	_ =	shalt  }
0x5f: {  	_ =	shalt  }
0x60: {  	_ =	shalt  }
0x61: {  	_ =	shalt  }
0x62: {  	_ =	shalt  }
0x63: {  	_ =	shalt  }
0x64: {  	_ =	shalt  }
0x65: {  	_ =	shalt  }
0x66: {  	_ =	shalt  }
0x67: {  	_ =	shalt  }
0x68: {  	_ =	shalt  }
0x69: {  	_ =	shalt  }
0x6a: {  	_ =	shalt  }
0x6b: {  	_ =	shalt  }
0x6c: {  	_ =	shalt  }
0x6d: {  	_ =	shalt  }
0x6e: {  	_ =	shalt  }
0x6f: {  	_ =	shalt  }
0x70: {  	_ =	shalt  }
0x71: {  	_ =	shalt  }
0x72: {  	_ =	shalt  }
0x73: {  	_ =	shalt  }
0x74: {  	_ =	shalt  }
0x75: {  	_ =	shalt  }
0x76: {  	_ =	shalt  }
0x77: {  	_ =	shalt  }
0x78: {  	_ =	shalt  }
0x79: {  	_ =	shalt  }
0x7a: {  	_ =	shalt  }
0x7b: {  	_ =	shalt  }
0x7c: {  	_ =	shalt  }
0x7d: {  	_ =	shalt  }
0x7e: {  	_ =	shalt  }
0x7f: {  	_ =	shalt  }
0x80: {  	_ =	shalt  }
0x81: {  	_ =	shalt  }
0x82: {  	_ =	shalt  }
0x83: {  	_ =	shalt  }
0x84: {  	_ =	shalt  }
0x85: {  	_ =	shalt  }
0x86: {  	_ =	shalt  }
0x87: {  	_ =	shalt  }
.Lfunc_end0:
.L_simem_size_0:
called_computation.1_lowered:
.L_overlay_start_0:
0x88: {  	s2 =	sld [smem:$0x3FD9]  }
0x89: {  	s3 =	sld [smem:$0x3FFE];
	_ =	sdelay $0x1  }
0x8a: {  	s1 =	srdreg.scid  }
0x8b: {  	s0 =	sand.u32 $0x1, s1  }
0x8c: {  	s14 =	sshll.u32 s0, $0xA;
	s2 =	sadd.s32 s3, s2  }
0x8d: {  	s2 =	sadd.s32 s2, s14  }
0x8e: {  	[smem:$0x3FC1] =	sst s2  }
0x8f: {  	_ = 	snop  }
0x90: {  	s2 =	sld [smem:$0x3FD0];
	_ =	sdelay $0x2  }
0x91: {  	s15 =	simm.s32 $0xA;
	s4 =	simm.s32 $0x10  }
0x92: {  	[smem:s4], [sflag:s15] =	dma.local [hbm:s2], $0x1  }
0x93: {  	_ =	swait.eq [sflag:s15], $0x1  }
0x94: {  	[sflag:s15] =	ssyncset.done $0x0  }
0x95: {  	[sflag:s15] =	ssyncadd.s32 $0xFFFFFFFF  }
0x96: {  	s16 =	sld [smem:$0x10];
	(tm) =	ssettm $0x1  }
0x97: {  	s17 =	sld [smem:$0x3FFB];
	_ =	sdelay $0x3  }
0x98: {  	_ =	strace s17  }
0x99: {  	s3 =	sld [smem:$0x3FFC];
	_ =	sdelay $0x3  }
0x9a: {  	_ =	strace s3  }
0x9b: {  	s3 =	sld [smem:$0x3FFD];
	_ =	sdelay $0x3  }
0x9c: {  	_ =	strace s3  }
0x9d: {  	_ =	strace $0x8FFFFFFF  }
0x9e: {  	s18 =	sld [smem:$0x3FDB];
	_ =	sdelay $0x1  }
0x9f: {  	s19 =	simm.s32 $_scs_section_size  }
0xa0: {  	s5 =	simm.s32 $_size__tile_overlayer_lowered;
	s6 =	simm.s32 $_tile_overlayer_lowered  }
0xa1: {  	s22 =	simm.s32 $0x1BFF;
	s21 =	sshll.u32 s6, $0x1;
	s3 =	sadd.s32 s19, s18  }
0xa2: {  	s7 =	simm.s32 $0x0;
	s20 =	sshll.u32 s5, $0x1;
	s5 =	sadd.s32 s21, s3  }
0xa3: {  	[timem:s7], [sflag:s22] =	dma.local [hbm:s5], s20  }
0xa4: {  	_ =	swait.ge [sflag:s22], s20  }
0xa5: {  	s4 =	ssub.s32 $0x0, s20;
	[sflag:s22] =	ssyncset.done $0x0  }
0xa6: {  	[sflag:s22] =	ssyncadd.s32 s4;
	_ =	sdelay $0x1  }
0xa7: {  	s23 =	simm.s32 $0x1B8B  }
0xa8: {  	_ =	swait.ge [sflag:s23], $0x1  }
0xa9: {  	[sflag:s23] =	ssyncset.done $0x0  }
0xaa: {  	s25 =	simm.s32 $0x1B8E;
	s24 =	sld [smem:$0x3FFE];
	[sflag:s23] =	ssyncadd.s32 $0xFFFFFFFF  }
0xab: {  	s26 =	simm.s32 $execute0_lowered;
	[smem:$0x3FD2] =	sst s25  }
0xac: {  	s5 =	sshll.u32 s26, $0x1;
	_ =	strace $0x80000049;
	[dreg:$0x1] =	wrdreg $0xFFFFFFFF  }
0xad: {  	s28 =	simm.s32 $_size_execute0_lowered;
	s3 =	sadd.s32 s3, s5;
	[dreg:$0x0] =	wrdreg $0x0  }
0xae: {  	s5 =	sshll.u32 s28, $0x1;
	[dreg:$0x2] =	wrdreg s3  }
0xaf: {  	[dreg:$0x3] =	wrdreg s5  }
0xb0: {  	[dreg:$0x4] =	wrdreg $0xC0  }
0xb1: {  	_ =	task [dreg:s7], $0x5FFFF  }
0xb2: {  	[dreg:$0x1] =	wrdreg $0xFFFFFFFF  }
0xb3: {  	[dreg:$0x0] =	wrdreg $0x60  }
0xb4: {  	[dreg:$0x2] =	wrdreg s24  }
0xb5: {  	[dreg:$0x3] =	wrdreg s16  }
0xb6: {  	[dreg:$0x4] =	wrdreg $0x9  }
0xb7: {  	_ =	task.clear_ibuf [dreg:s7], $0x5FFFF;
	_ =	strace $0x90000049  }
0xb8: {  	s29 =	simm.s32 $0x9;
	_ =	strace $0x8000004B  }
0xb9: {  	_ =	swait.ge [sflag:s29], $0x1  }
0xba: {  	[sflag:s29] =	ssyncadd.s32 $0xFFFFFFFF  }
0xbb: {  	_ =	strace $0x9000004B  }
0xbc: {  	_ =	sfence  }
0xbd: {  	s30 =	sld [smem:$0x0];
	_ =	sdelay $0x2  }
0xbe: {  	s31 =	sshll.u32 s1, $0xD;
	s1 =	sshrl.u32 s1, $0x2  }
0xbf: {  	s3 =	sand.u32 $0x4000, s31;
	s1 =	sadd.s32 s1, s30  }
0xc0: {  	s0 =	sor.u32 s3, s0;
	s1 =	sshll.u32 s1, $0x11  }
0xc1: {  	s0 =	sor.u32 s1, s0  }
0xc2: {  	s0 =	sadd.s32 $0x8F2B, s0  }
0xc3: {  	[sflag:s0] =	ssyncadd.remote.s32 $0x1  }
0xc4: {  	_ =	sfence.sel $0xFFFF  }
0xc5: {  	[dreg:$0x0] =	wrdreg $0xFFFFFFFF;
	(pc) =	sbr.abs _section_cstart, $3  }
0xc6: {  	[dreg:$0x1] =	wrdreg $0xFFFFFFFF  }
0xc7: {  	_ =	task.clear_ibuf [dreg:s7], $0x2FFFF;
	_ =	strace $0x9FFFFFFF  }
0xc8: {  	(tm) =	ssettm $0x7FFFFFFF  }
0xc9: {  	_ =	shalt  }
tec
execute0_lowered:
.L_overlay_start_1:
0x0: {  	(tag) =	ssettag $0x1  }
0x1: {  	s0 =	rddreg [dreg:$0x0]  }
0x2: {  	s1 =	rddreg [dreg:$0x1];
	s2 =	simm.s32 $0x0;
	s3 =	srdreg.scid  }
0x3: {  	s5 =	stileid.u32;
	s17 =	simm.s32 $0x3;
	s12 =	simm.s32 $0xC800  }
0x4: {  	s13 =	simm.s32 $0xD800;
	s14 =	simm.s32 $0xE800;
	s28 =	simm.s32 $0xF000  }
0x5: {  	s15 =	simm.s32 $0xF800;
	s29 =	simm.s32 $0x1;
	s30 =	simm.s32 $0x10000  }
0x6: {  	s31 =	simm.s32 $0x14000;
	[smem:$0x7FF] =	sst s2;
	s4 =	sand.u32 $0x1, s3  }
0x7: {  	s5 =	sshll.u32 s5, $0x7;
	s3 =	sadd.s32 $0x133E00, s0;
	s9 =	sadd.s32 $0x134000, s0  }
0x8: {  	s10 =	sadd.s32 $0x134100, s0;
	s6 =	sshll.u32 s4, $0x6;
	s4 =	ssub.s32 $0x2, s4  }
0x9: {  	_ =	strace $0x8000004A;
	s5 =	sor.u32 s6, s5;
	s8 =	sshrl.u32 s4, $0x1  }
0xa: {  	s6 =	sshrl.u32 s5, $0x3;
	s7 =	sshll.u32 s5, $0x4;
	s4 =	ssub.s32 s4, s8  }
0xb: {  	s8 =	sadd.s32 $0x133F00, s0;
	s6 =	sadd.s32 s6, s0;
	s26 =	smax.u32 s4, $0x1  }
0xc: {  	s5 =	sshll.u32 s5, $0x7;
	s20 =	sadd.s32 $0x1A00, s6;
	[dreg:$0xa] =	wrdreg s26  }
0xd: {  	s7 =	sadd.s32 s7, s0;
	s6 =	sadd.s32 $0x1C00, s6;
	[dreg:$0x3] =	wrdreg s20  }
0xe: {  	s11 =	sadd.s32 s1, s5;
	s21 =	sadd.s32 $0x1E00, s7;
	[dreg:$0x4] =	wrdreg s6  }
0xf: {  	s0 =	simm.s32 $0x2;
	s22 =	sadd.s32 $0x9E00, s7;
	[dreg:$0x5] =	wrdreg s21  }
0x10: {  	s1 =	simm.s32 $0x0;
	s23 =	sadd.s32 $0x800, s11;
	[dreg:$0x6] =	wrdreg s22  }
0x11: {  	s24 =	sadd.s32 $0x1000, s11;
	s25 =	sadd.s32 $0x1800, s11;
	[dreg:$0x7] =	wrdreg s23  }
0x12: {  	v2 =	vlaneseq.u32;
	s7 =	simm.s32 $0x6000;
	s26 =	simm.s32 $0xE000;
	[dreg:$0x8] =	wrdreg s24  }
0x13: {  	vm0 =	vmmov $0xffff;
	v1 =	vshrl.u32 v2, $0x3;
	[dreg:$0x9] =	wrdreg s25;
	s21 =	simm.s32 $0x6800;
	s22 =	simm.s32 $0x7000  }
0x14: {  	v0 =	vand.u32 $0x7, v2;
	v2 =	vor.u32 $0x8, v2;
	v1 =	vmul.u32 $0x8, v1;
	s23 =	simm.s32 $0x7800;
	s24 =	simm.s32 $0xC000;
	s25 =	simm.s32 $0xD000  }
.LBB2_1:
0x15: {  	s4 =	rddreg [dreg:$0x3];
	s5 =	simm.s32 $0x1C000  }
0x16: {  	[tilespmem:s5], [sflag:$0x3] =	stream.linear.gather [hbm4b:s4+s2], $0x40, $0x38;
	[tilespmem:$0x1C100] =	vst v63  }
0x17: {  	_ =	swait.ge [sflag:s17], $0x40  }
0x18: {  	[sflag:s17] =	ssyncset.done $0x0  }
0x19: {  	s20 =	simm.s32 $0x1C080;
	s19 =	rddreg [dreg:$0x4];
	[sflag:s17] =	ssyncadd.s32 $0xFFFFFFC0  }
0x1a: {  	[tilespmem:s20], [sflag:$0x3] =	stream.linear.gather [hbm4b:s19+s2], $0x40, $0x38;
	[tilespmem:$0x1C100] =	vst v63  }
0x1b: {  	_ =	swait.ge [sflag:s17], $0x40  }
0x1c: {  	[sflag:s17] =	ssyncset.done $0x0  }
0x1d: {  	s16 =	simm.s32 $0x18000;
	s6 =	rddreg [dreg:$0x5];
	[sflag:s17] =	ssyncadd.s32 $0xFFFFFFC0  }
0x1e: {  	[tilespmem:s16], [sflag:$0x3] =	stream.linear.gather [hbm4b:s6+s2], $0x2000, $0x38;
	[tilespmem:$0x1C100] =	vst v63  }
0x1f: {  	_ =	swait.ge [sflag:s17], $0x2000  }
0x20: {  	[sflag:s17] =	ssyncset.done $0x0  }
0x21: {  	s19 =	simm.s32 $0x1A000;
	s18 =	rddreg [dreg:$0x6];
	[sflag:s17] =	ssyncadd.s32 $0xFFFFE000  }
0x22: {  	[tilespmem:s19], [sflag:$0x3] =	stream.linear.gather [hbm4b:s18+s2], $0x2000, $0x38;
	[tilespmem:$0x1C100] =	vst v63  }
0x23: {  	_ =	swait.ge [sflag:s17], $0x2000  }
0x24: {  	[sflag:s17] =	ssyncset.done $0x0  }
0x25: {  	[sflag:s17] =	ssyncadd.s32 $0xFFFFE000  }
0x26: {  	v3 =	vld [tilespmem:$0x1C000];
	_ =	sdelay $0x4  }
0x27: {  	v4 =	vshll.u32 v3, $0x3  }
0x28: {  	v3 =	vand.u32 $0x7, v3;
	v4 =	vand.u32 $0xFFFFFFC0, v4  }
0x29: {  	v3 =	vor.u32 v3, v4  }
0x2a: {  	v4 =	vperm.xlane v3, v0;
	_ =	sdelay $0x1  }
0x2b: {  	v4 =	vadd.s32 v1, v4;
	_ =	sdelay $0x4  }
0x2c: {  	[tilespmem:s2], [sflag:$0x1] =	stream.indirect_vreg.gather [hbm4b:s3+s2], $0x80, v4, vm0, $0xb8;
	[tilespmem:$0x1C100] =	vst v63  }
0x2d: {  	s20 =	simm.s32 $0x800;
	v3 =	vperm.xlane v3, v2  }
0x2e: {  	[tilespmem:s20], [sflag:$0x1] =	stream.indirect_vreg.gather [hbm4b:s8+s2], $0x80, v4, vm0, $0xb8;
	[tilespmem:$0x1C100] =	vst v63  }
0x2f: {  	s5 =	simm.s32 $0x1000;
	v3 =	vadd.s32 v1, v3  }
0x30: {  	[tilespmem:s5], [sflag:$0x1] =	stream.indirect_vreg.gather [hbm4b:s9+s2], $0x80, v4, vm0, $0xb8;
	[tilespmem:$0x1C100] =	vst v63  }
0x31: {  	s6 =	simm.s32 $0x1800  }
0x32: {  	[tilespmem:s6], [sflag:$0x1] =	stream.indirect_vreg.gather [hbm4b:s10+s2], $0x80, v4, vm0, $0xb8;
	[tilespmem:$0x1C100] =	vst v63  }
0x33: {  	s16 =	simm.s32 $0x2000  }
0x34: {  	[tilespmem:s16], [sflag:$0x1] =	stream.indirect_vreg.gather [hbm4b:s3+s2], $0x80, v3, vm0, $0xb8;
	[tilespmem:$0x1C100] =	vst v63  }
0x35: {  	s18 =	simm.s32 $0x2800  }
0x36: {  	[tilespmem:s18], [sflag:$0x1] =	stream.indirect_vreg.gather [hbm4b:s8+s2], $0x80, v3, vm0, $0xb8;
	[tilespmem:$0x1C100] =	vst v63  }
0x37: {  	s19 =	simm.s32 $0x3000  }
0x38: {  	[tilespmem:s19], [sflag:$0x1] =	stream.indirect_vreg.gather [hbm4b:s9+s2], $0x80, v3, vm0, $0xb8;
	[tilespmem:$0x1C100] =	vst v63  }
0x39: {  	s20 =	simm.s32 $0x3800  }
0x3a: {  	[tilespmem:s20], [sflag:$0x1] =	stream.indirect_vreg.gather [hbm4b:s10+s2], $0x80, v3, vm0, $0xb8;
	[tilespmem:$0x1C100] =	vst v63  }
0x3b: {  	v3 =	vld [tilespmem:$0x1C080];
	_ =	sdelay $0x4  }
0x3c: {  	v61 =	vshll.u32 v3, $0x3  }
0x3d: {  	v3 =	vand.u32 $0x7, v3;
	v4 =	vand.u32 $0xFFFFFFC0, v61  }
0x3e: {  	v3 =	vor.u32 v3, v4  }
0x3f: {  	v4 =	vperm.xlane v3, v0;
	_ =	sdelay $0x1  }
0x40: {  	v4 =	vadd.s32 v1, v4;
	_ =	sdelay $0x3  }
0x41: {  	s5 =	simm.s32 $0x8000  }
0x42: {  	[tilespmem:s5], [sflag:$0x1] =	stream.indirect_vreg.gather [hbm4b:s3+s2], $0x80, v4, vm0, $0xb8;
	[tilespmem:$0x1C100] =	vst v63  }
0x43: {  	s6 =	simm.s32 $0x8800;
	v3 =	vperm.xlane v3, v2  }
0x44: {  	[tilespmem:s6], [sflag:$0x1] =	stream.indirect_vreg.gather [hbm4b:s8+s2], $0x80, v4, vm0, $0xb8;
	[tilespmem:$0x1C100] =	vst v63  }
0x45: {  	s16 =	simm.s32 $0x9000;
	v3 =	vadd.s32 v1, v3  }
0x46: {  	[tilespmem:s16], [sflag:$0x1] =	stream.indirect_vreg.gather [hbm4b:s9+s2], $0x80, v4, vm0, $0xb8;
	[tilespmem:$0x1C100] =	vst v63  }
0x47: {  	s18 =	simm.s32 $0x9800  }
0x48: {  	[tilespmem:s18], [sflag:$0x1] =	stream.indirect_vreg.gather [hbm4b:s10+s2], $0x80, v4, vm0, $0xb8;
	[tilespmem:$0x1C100] =	vst v63  }
0x49: {  	s19 =	simm.s32 $0xA000  }
0x4a: {  	[tilespmem:s19], [sflag:$0x1] =	stream.indirect_vreg.gather [hbm4b:s3+s2], $0x80, v3, vm0, $0xb8;
	[tilespmem:$0x1C100] =	vst v63  }
0x4b: {  	s20 =	simm.s32 $0xA800  }
0x4c: {  	[tilespmem:s20], [sflag:$0x1] =	stream.indirect_vreg.gather [hbm4b:s8+s2], $0x80, v3, vm0, $0xb8;
	[tilespmem:$0x1C100] =	vst v63  }
0x4d: {  	s5 =	simm.s32 $0xB000  }
0x4e: {  	[tilespmem:s5], [sflag:$0x1] =	stream.indirect_vreg.gather [hbm4b:s9+s2], $0x80, v3, vm0, $0xb8;
	[tilespmem:$0x1C100] =	vst v63  }
0x4f: {  	s6 =	simm.s32 $0xB800  }
0x50: {  	[tilespmem:s6], [sflag:$0x1] =	stream.indirect_vreg.gather [hbm4b:s10+s2], $0x80, v3, vm0, $0xb8;
	[tilespmem:$0x1C100] =	vst v63  }
0x51: {  	v3 =	vld [tilespmem:$0x1C010];
	_ =	sdelay $0x4  }
0x52: {  	v62 =	vshll.u32 v3, $0x3  }
0x53: {  	v3 =	vand.u32 $0x7, v3;
	v4 =	vand.u32 $0xFFFFFFC0, v62  }
0x54: {  	v3 =	vor.u32 v3, v4  }
0x55: {  	v4 =	vperm.xlane v3, v0;
	_ =	sdelay $0x1  }
0x56: {  	v4 =	vadd.s32 v1, v4;
	_ =	sdelay $0x3  }
0x57: {  	s16 =	simm.s32 $0x4000  }
0x58: {  	[tilespmem:s16], [sflag:$0x1] =	stream.indirect_vreg.gather [hbm4b:s3+s2], $0x80, v4, vm0, $0xb8;
	[tilespmem:$0x1C100] =	vst v63  }
0x59: {  	s18 =	simm.s32 $0x4800;
	v3 =	vperm.xlane v3, v2  }
0x5a: {  	[tilespmem:s18], [sflag:$0x1] =	stream.indirect_vreg.gather [hbm4b:s8+s2], $0x80, v4, vm0, $0xb8;
	[tilespmem:$0x1C100] =	vst v63  }
0x5b: {  	s19 =	simm.s32 $0x5000;
	v3 =	vadd.s32 v1, v3  }
0x5c: {  	[tilespmem:s19], [sflag:$0x1] =	stream.indirect_vreg.gather [hbm4b:s9+s2], $0x80, v4, vm0, $0xb8;
	[tilespmem:$0x1C100] =	vst v63  }
0x5d: {  	s20 =	simm.s32 $0x5800  }
0x5e: {  	[tilespmem:s20], [sflag:$0x1] =	stream.indirect_vreg.gather [hbm4b:s10+s2], $0x80, v4, vm0, $0xb8;
	[tilespmem:$0x1C100] =	vst v63  }
0x5f: {  	_ = 	snop  }
0x60: {  	[tilespmem:s7], [sflag:$0x1] =	stream.indirect_vreg.gather [hbm4b:s3+s2], $0x80, v3, vm0, $0xb8;
	[tilespmem:$0x1C100] =	vst v63  }
0x61: {  	_ = 	snop  }
0x62: {  	[tilespmem:s21], [sflag:$0x1] =	stream.indirect_vreg.gather [hbm4b:s8+s2], $0x80, v3, vm0, $0xb8;
	[tilespmem:$0x1C100] =	vst v63  }
0x63: {  	_ = 	snop  }
0x64: {  	[tilespmem:s22], [sflag:$0x1] =	stream.indirect_vreg.gather [hbm4b:s9+s2], $0x80, v3, vm0, $0xb8;
	[tilespmem:$0x1C100] =	vst v63  }
0x65: {  	_ = 	snop  }
0x66: {  	[tilespmem:s23], [sflag:$0x1] =	stream.indirect_vreg.gather [hbm4b:s10+s2], $0x80, v3, vm0, $0xb8;
	[tilespmem:$0x1C100] =	vst v63  }
0x67: {  	v3 =	vld [tilespmem:$0x1C090];
	_ =	sdelay $0x4  }
0x68: {  	v63 =	vshll.u32 v3, $0x3  }
0x69: {  	v3 =	vand.u32 $0x7, v3;
	v4 =	vand.u32 $0xFFFFFFC0, v63  }
0x6a: {  	v3 =	vor.u32 v3, v4  }
0x6b: {  	v4 =	vperm.xlane v3, v0;
	_ =	sdelay $0x1  }
0x6c: {  	v4 =	vadd.s32 v1, v4;
	_ =	sdelay $0x4  }
0x6d: {  	[tilespmem:s24], [sflag:$0x1] =	stream.indirect_vreg.gather [hbm4b:s3+s2], $0x80, v4, vm0, $0xb8;
	[tilespmem:$0x1C100] =	vst v63  }
0x6e: {  	v3 =	vperm.xlane v3, v2  }
0x6f: {  	[tilespmem:s12], [sflag:$0x1] =	stream.indirect_vreg.gather [hbm4b:s8+s2], $0x80, v4, vm0, $0xb8;
	[tilespmem:$0x1C100] =	vst v63  }
0x70: {  	v3 =	vadd.s32 v1, v3  }
0x71: {  	[tilespmem:s25], [sflag:$0x1] =	stream.indirect_vreg.gather [hbm4b:s9+s2], $0x80, v4, vm0, $0xb8;
	[tilespmem:$0x1C100] =	vst v63  }
0x72: {  	_ = 	snop  }
0x73: {  	[tilespmem:s13], [sflag:$0x1] =	stream.indirect_vreg.gather [hbm4b:s10+s2], $0x80, v4, vm0, $0xb8;
	[tilespmem:$0x1C100] =	vst v63  }
0x74: {  	_ = 	snop  }
0x75: {  	[tilespmem:s26], [sflag:$0x1] =	stream.indirect_vreg.gather [hbm4b:s3+s2], $0x80, v3, vm0, $0xb8;
	[tilespmem:$0x1C100] =	vst v63  }
0x76: {  	_ = 	snop  }
0x77: {  	[tilespmem:s14], [sflag:$0x1] =	stream.indirect_vreg.gather [hbm4b:s8+s2], $0x80, v3, vm0, $0xb8;
	[tilespmem:$0x1C100] =	vst v63  }
0x78: {  	_ = 	snop  }
0x79: {  	[tilespmem:s28], [sflag:$0x1] =	stream.indirect_vreg.gather [hbm4b:s9+s2], $0x80, v3, vm0, $0xb8;
	[tilespmem:$0x1C100] =	vst v63  }
0x7a: {  	_ = 	snop  }
0x7b: {  	[tilespmem:s15], [sflag:$0x1] =	stream.indirect_vreg.gather [hbm4b:s10+s2], $0x80, v3, vm0, $0xb8;
	[tilespmem:$0x1C100] =	vst v63  }
0x7c: {  	_ =	swait.ge [sflag:s29], $0x4000  }
0x7d: {  	[sflag:s29] =	ssyncset.done $0x0  }
0x7e: {  	[sflag:s29] =	ssyncadd.s32 $0xFFFFC000  }
0x7f: {  	_ =	swait.ge [sflag:s29], $0x4000  }
0x80: {  	s16 =	simm.s32 $0x0;
	[sflag:s29] =	ssyncset.done $0x0  }
0x81: {  	s18 =	simm.s32 $0x0;
	s19 =	simm.s32 $0x0;
	[sflag:s29] =	ssyncadd.s32 $0xFFFFC000  }
.LBB2_2:
0x82: {  	s4 =	sshll.u32 s18, $0x2;
	s5 =	sand.u32 $0x7, s16  }
0x83: {  	s4 =	sand.u32 $0xFFFF8000, s4;
	s5 =	sshll.u32 s5, $0x9  }
0x84: {  	s20 =	sshll.u32 s19, $0x7;
	s4 =	sor.u32 s5, s4  }
0x85: {  	v3 =	vld [tilespmem:s20+$0x18000];
	s4 =	sshrl.u32 s4, $0x2  }
0x86: {  	v4 =	vld [tilespmem:s20+$0x1A000];
	s6 =	sor.u32 $0x40, s4  }
0x87: {  	s20 =	sadd.s32 $0x8040, s4;
	v5 =	vld [tilespmem:s6+$0x30]  }
0x88: {  	v6 =	vld [tilespmem:s20+$0x30]  }
0x89: {  	v8 =	vld [tilespmem:s20+$0xFFFFFFC0]  }
0x8a: {  	v7 =	vld [tilespmem:s6+$0xFFFFFFD0]  }
0x8b: {  	v9 =	vld [tilespmem:s20+$0xFFFFFFD0]  }
0x8c: {  	v10 =	vld [tilespmem:s6+$0xFFFFFFE0]  }
0x8d: {  	v11 =	vld [tilespmem:s20+$0xFFFFFFE0]  }
0x8e: {  	v12 =	vld [tilespmem:s6+$0xFFFFFFF0]  }
0x8f: {  	v13 =	vld [tilespmem:s20+$0xFFFFFFF0]  }
0x90: {  	v14 =	vld [tilespmem:s6+$0x0];
	v5 =	vmul.f32 v5, v3;
	v6 =	vmul.f32 v6, v4  }
0x91: {  	v16 =	vld [tilespmem:s20+$0x0];
	v15 =	vmul.f32 v7, v3;
	v9 =	vmul.f32 v9, v4  }
0x92: {  	v10 =	vmul.f32 v10, v3;
	v11 =	vmul.f32 v11, v4;
	v7 =	vld [tilespmem:s6+$0x10];
	v5 =	vadd.f32 v6, v5  }
0x93: {  	s4 =	sadd.s32 $0x10040, s4;
	v15 =	vadd.f32 v9, v15;
	v6 =	vld [tilespmem:s20+$0x10]  }
0x94: {  	v12 =	vmul.f32 v12, v3;
	v13 =	vmul.f32 v13, v4;
	v17 =	vadd.f32 v11, v10;
	v9 =	vld [tilespmem:s6+$0x20];
	[tilespmem:s4+$0x30] =	vst v5  }
0x95: {  	v10 =	vld [tilespmem:s20+$0x20];
	v11 =	vmul.f32 v14, v3;
	[tilespmem:s4+$0xFFFFFFD0] =	vst v15  }
0x96: {  	s5 =	simm.s32 $0x0;
	v12 =	vadd.f32 v13, v12;
	v13 =	vmul.f32 v16, v4;
	v5 =	vmul.f32 v8, v4;
	v8 =	vld [tilespmem:s6+$0xFFFFFFC0];
	[tilespmem:s4+$0xFFFFFFE0] =	vst v17;
	s6 =	sadd.s32 $0x400, s6  }
.LBB2_3:
0x97: {  	v14 =	vld [tilespmem:s6+$0x30];
	v7 =	vmul.f32 v7, v3;
	s20 =	sadd.s32 $0x400, s20  }
0x98: {  	s5 =	sadd.s32 $0x8, s5;
	v15 =	vld [tilespmem:s20+$0x30];
	[tilespmem:s4+$0xFFFFFFF0] =	vst v12;
	v11 =	vadd.f32 v13, v11;
	v6 =	vmul.f32 v6, v4  }
0x99: {  	p0 =	slt.u32 s5, $0x38;
	v12 =	vld [tilespmem:s20+$0xFFFFFFC0];
	v9 =	vmul.f32 v9, v3  }
0x9a: {  	v13 =	vld [tilespmem:s6+$0xFFFFFFD0];
	[tilespmem:s4+$0x0] =	vst v11;
	v6 =	vadd.f32 v6, v7;
	v7 =	vmul.f32 v10, v4  }
0x9b: {  	v10 =	vld [tilespmem:s20+$0xFFFFFFD0];
	v8 =	vmul.f32 v8, v3  }
0x9c: {  	v11 =	vld [tilespmem:s6+$0xFFFFFFE0];
	[tilespmem:s4+$0x10] =	vst v6;
	v6 =	vadd.f32 v7, v9  }
0x9d: {  	v9 =	vmul.f32 v14, v3;
	v7 =	vld [tilespmem:s20+$0xFFFFFFE0];
	v14 =	vmul.f32 v15, v4;
	v8 =	vadd.f32 v5, v8  }
0x9e: {  	v5 =	vmul.f32 v12, v4;
	v12 =	vld [tilespmem:s6+$0xFFFFFFF0];
	[tilespmem:s4+$0x20] =	vst v6  }
0x9f: {  	v6 =	vmul.f32 v13, v3;
	v13 =	vld [tilespmem:s20+$0xFFFFFFF0];
	v9 =	vadd.f32 v14, v9;
	[tilespmem:s4+$0xFFFFFFC0] =	vst v8  }
0xa0: {  	s4 =	sadd.s32 $0x400, s4;
	v8 =	vmul.f32 v10, v4;
	v10 =	vld [tilespmem:s6+$0x0]  }
0xa1: {  	v11 =	vmul.f32 v11, v3;
	v14 =	vld [tilespmem:s20+$0x0];
	[tilespmem:s4+$0x30] =	vst v9  }
.Ltmp0:
0xa2: {  	v8 =	vadd.f32 v8, v6;
	v9 =	vmul.f32 v7, v4;
	v7 =	vld [tilespmem:s6+$0x10];
	(pc) =	sbr.rel @p0 .LBB2_3-.Ltmp0, $4  }
0xa3: {  	v12 =	vmul.f32 v12, v3;
	v6 =	vld [tilespmem:s20+$0x10]  }
0xa4: {  	[tilespmem:s4+$0xFFFFFFD0] =	vst v8;
	v15 =	vadd.f32 v9, v11;
	v13 =	vmul.f32 v13, v4;
	v9 =	vld [tilespmem:s6+$0x20]  }
0xa5: {  	v11 =	vmul.f32 v10, v3;
	v10 =	vld [tilespmem:s20+$0x20]  }
0xa6: {  	v8 =	vld [tilespmem:s6+$0xFFFFFFC0];
	[tilespmem:s4+$0xFFFFFFE0] =	vst v15;
	v12 =	vadd.f32 v13, v12;
	v13 =	vmul.f32 v14, v4;
	s6 =	sadd.s32 $0x400, s6  }
0xa7: {  	_ =	sdelay $0x1  }
0xa8: {  	v7 =	vmul.f32 v7, v3;
	s19 =	sadd.s32 $0x1, s19;
	v6 =	vmul.f32 v6, v4  }
0xa9: {  	v11 =	vadd.f32 v13, v11;
	p0 =	sne.s32 s19, $0x10;
	v9 =	vmul.f32 v9, v3;
	v63 =	vmul.f32 v10, v4  }
.Ltmp1:
0xaa: {  	[tilespmem:s4+$0xFFFFFFF0] =	vst v12;
	v6 =	vadd.f32 v6, v7;
	v3 =	vmul.f32 v8, v3;
	(pc) =	sbr.rel @p0 .LBB2_2-.Ltmp1, $4  }
0xab: {  	[tilespmem:s4+$0x0] =	vst v11;
	v4 =	vadd.f32 v63, v9  }
0xac: {  	[tilespmem:s4+$0x10] =	vst v6;
	v3 =	vadd.f32 v5, v3  }
0xad: {  	[tilespmem:s4+$0x20] =	vst v4  }
0xae: {  	s18 =	sadd.s32 $0x400, s18;
	s16 =	sadd.s32 $0x1, s16;
	[tilespmem:s4+$0xFFFFFFC0] =	vst v3  }
0xaf: {  	s16 =	simm.s32 $0x0  }
0xb0: {  	[hbm4b:s11+s16] =	stream.linear.scatter [tilespmem:s30], [sflag:$0x2], $0x4000, $0x38;
	[tilespmem:$0x1C100] =	vst v63  }
0xb1: {  	v3 =	vld [tilespmem:$0x1C020];
	_ =	sdelay $0x4  }
0xb2: {  	v4 =	vshll.u32 v3, $0x3  }
0xb3: {  	v3 =	vand.u32 $0x7, v3;
	v4 =	vand.u32 $0xFFFFFFC0, v4  }
0xb4: {  	v3 =	vor.u32 v3, v4  }
0xb5: {  	v4 =	vperm.xlane v3, v0;
	_ =	sdelay $0x1  }
0xb6: {  	v4 =	vadd.s32 v1, v4;
	_ =	sdelay $0x4  }
0xb7: {  	[tilespmem:s16], [sflag:$0x1] =	stream.indirect_vreg.gather [hbm4b:s3+s16], $0x80, v4, vm0, $0xb8;
	[tilespmem:$0x1C100] =	vst v63  }
0xb8: {  	s4 =	simm.s32 $0x800;
	v3 =	vperm.xlane v3, v2  }
0xb9: {  	[tilespmem:s4], [sflag:$0x1] =	stream.indirect_vreg.gather [hbm4b:s8+s16], $0x80, v4, vm0, $0xb8;
	[tilespmem:$0x1C100] =	vst v63  }
0xba: {  	s6 =	simm.s32 $0x1000;
	v3 =	vadd.s32 v1, v3  }
0xbb: {  	[tilespmem:s6], [sflag:$0x1] =	stream.indirect_vreg.gather [hbm4b:s9+s16], $0x80, v4, vm0, $0xb8;
	[tilespmem:$0x1C100] =	vst v63  }
0xbc: {  	s18 =	simm.s32 $0x1800  }
0xbd: {  	[tilespmem:s18], [sflag:$0x1] =	stream.indirect_vreg.gather [hbm4b:s10+s16], $0x80, v4, vm0, $0xb8;
	[tilespmem:$0x1C100] =	vst v63  }
0xbe: {  	s19 =	simm.s32 $0x2000  }
0xbf: {  	[tilespmem:s19], [sflag:$0x1] =	stream.indirect_vreg.gather [hbm4b:s3+s16], $0x80, v3, vm0, $0xb8;
	[tilespmem:$0x1C100] =	vst v63  }
0xc0: {  	s20 =	simm.s32 $0x2800  }
0xc1: {  	[tilespmem:s20], [sflag:$0x1] =	stream.indirect_vreg.gather [hbm4b:s8+s16], $0x80, v3, vm0, $0xb8;
	[tilespmem:$0x1C100] =	vst v63  }
0xc2: {  	s5 =	simm.s32 $0x3000  }
0xc3: {  	[tilespmem:s5], [sflag:$0x1] =	stream.indirect_vreg.gather [hbm4b:s9+s16], $0x80, v3, vm0, $0xb8;
	[tilespmem:$0x1C100] =	vst v63  }
0xc4: {  	s6 =	simm.s32 $0x3800  }
0xc5: {  	[tilespmem:s6], [sflag:$0x1] =	stream.indirect_vreg.gather [hbm4b:s10+s16], $0x80, v3, vm0, $0xb8;
	[tilespmem:$0x1C100] =	vst v63  }
0xc6: {  	v3 =	vld [tilespmem:$0x1C0A0];
	_ =	sdelay $0x4  }
0xc7: {  	v63 =	vshll.u32 v3, $0x3  }
0xc8: {  	v3 =	vand.u32 $0x7, v3;
	v4 =	vand.u32 $0xFFFFFFC0, v63  }
0xc9: {  	v3 =	vor.u32 v3, v4  }
0xca: {  	v4 =	vperm.xlane v3, v0;
	_ =	sdelay $0x1  }
0xcb: {  	v4 =	vadd.s32 v1, v4;
	_ =	sdelay $0x3  }
0xcc: {  	s18 =	simm.s32 $0x8000  }
0xcd: {  	[tilespmem:s18], [sflag:$0x1] =	stream.indirect_vreg.gather [hbm4b:s3+s16], $0x80, v4, vm0, $0xb8;
	[tilespmem:$0x1C100] =	vst v63  }
0xce: {  	s19 =	simm.s32 $0x8800;
	v3 =	vperm.xlane v3, v2  }
0xcf: {  	[tilespmem:s19], [sflag:$0x1] =	stream.indirect_vreg.gather [hbm4b:s8+s16], $0x80, v4, vm0, $0xb8;
	[tilespmem:$0x1C100] =	vst v63  }
0xd0: {  	s20 =	simm.s32 $0x9000;
	v3 =	vadd.s32 v1, v3  }
0xd1: {  	[tilespmem:s20], [sflag:$0x1] =	stream.indirect_vreg.gather [hbm4b:s9+s16], $0x80, v4, vm0, $0xb8;
	[tilespmem:$0x1C100] =	vst v63  }
0xd2: {  	s5 =	simm.s32 $0x9800  }
0xd3: {  	[tilespmem:s5], [sflag:$0x1] =	stream.indirect_vreg.gather [hbm4b:s10+s16], $0x80, v4, vm0, $0xb8;
	[tilespmem:$0x1C100] =	vst v63  }
0xd4: {  	s6 =	simm.s32 $0xA000  }
0xd5: {  	[tilespmem:s6], [sflag:$0x1] =	stream.indirect_vreg.gather [hbm4b:s3+s16], $0x80, v3, vm0, $0xb8;
	[tilespmem:$0x1C100] =	vst v63  }
0xd6: {  	s18 =	simm.s32 $0xA800  }
0xd7: {  	[tilespmem:s18], [sflag:$0x1] =	stream.indirect_vreg.gather [hbm4b:s8+s16], $0x80, v3, vm0, $0xb8;
	[tilespmem:$0x1C100] =	vst v63  }
0xd8: {  	s19 =	simm.s32 $0xB000  }
0xd9: {  	[tilespmem:s19], [sflag:$0x1] =	stream.indirect_vreg.gather [hbm4b:s9+s16], $0x80, v3, vm0, $0xb8;
	[tilespmem:$0x1C100] =	vst v63  }
0xda: {  	s20 =	simm.s32 $0xB800  }
0xdb: {  	[tilespmem:s20], [sflag:$0x1] =	stream.indirect_vreg.gather [hbm4b:s10+s16], $0x80, v3, vm0, $0xb8;
	[tilespmem:$0x1C100] =	vst v63  }
0xdc: {  	_ =	swait.ge [sflag:s29], $0x4000  }
0xdd: {  	[sflag:s29] =	ssyncset.done $0x0  }
0xde: {  	[sflag:s29] =	ssyncadd.s32 $0xFFFFC000  }
0xdf: {  	_ =	swait.ge [sflag:s29], $0x4000  }
0xe0: {  	[sflag:s29] =	ssyncset.done $0x0  }
0xe1: {  	s18 =	simm.s32 $0x0;
	s19 =	simm.s32 $0x0;
	[sflag:s29] =	ssyncadd.s32 $0xFFFFC000  }
.LBB2_6:
0xe2: {  	s4 =	sshll.u32 s18, $0x2;
	s5 =	sand.u32 $0x7, s16  }
0xe3: {  	s4 =	sand.u32 $0xFFFF8000, s4;
	s5 =	sshll.u32 s5, $0x9  }
0xe4: {  	s20 =	sshll.u32 s19, $0x7;
	s4 =	sor.u32 s5, s4  }
0xe5: {  	v3 =	vld [tilespmem:s20+$0x18800];
	s4 =	sshrl.u32 s4, $0x2  }
0xe6: {  	v4 =	vld [tilespmem:s20+$0x1A800];
	s6 =	sadd.s32 $0x4040, s4  }
0xe7: {  	s20 =	sadd.s32 $0xC040, s4;
	v5 =	vld [tilespmem:s6+$0x30]  }
0xe8: {  	v6 =	vld [tilespmem:s20+$0x30]  }
0xe9: {  	v8 =	vld [tilespmem:s20+$0xFFFFFFC0]  }
0xea: {  	v7 =	vld [tilespmem:s6+$0xFFFFFFD0]  }
0xeb: {  	v9 =	vld [tilespmem:s20+$0xFFFFFFD0]  }
0xec: {  	v10 =	vld [tilespmem:s6+$0xFFFFFFE0]  }
0xed: {  	v11 =	vld [tilespmem:s20+$0xFFFFFFE0]  }
0xee: {  	v12 =	vld [tilespmem:s6+$0xFFFFFFF0]  }
0xef: {  	v13 =	vld [tilespmem:s20+$0xFFFFFFF0]  }
0xf0: {  	v14 =	vld [tilespmem:s6+$0x0];
	v5 =	vmul.f32 v5, v3;
	v6 =	vmul.f32 v6, v4  }
0xf1: {  	v16 =	vld [tilespmem:s20+$0x0];
	v15 =	vmul.f32 v7, v3;
	v9 =	vmul.f32 v9, v4  }
0xf2: {  	v10 =	vmul.f32 v10, v3;
	v11 =	vmul.f32 v11, v4;
	v7 =	vld [tilespmem:s6+$0x10];
	v5 =	vadd.f32 v6, v5  }
0xf3: {  	s4 =	sadd.s32 $0x14040, s4;
	v15 =	vadd.f32 v9, v15;
	v6 =	vld [tilespmem:s20+$0x10]  }
0xf4: {  	v12 =	vmul.f32 v12, v3;
	v13 =	vmul.f32 v13, v4;
	v17 =	vadd.f32 v11, v10;
	v9 =	vld [tilespmem:s6+$0x20];
	[tilespmem:s4+$0x30] =	vst v5  }
0xf5: {  	v10 =	vld [tilespmem:s20+$0x20];
	v11 =	vmul.f32 v14, v3;
	[tilespmem:s4+$0xFFFFFFD0] =	vst v15  }
0xf6: {  	s5 =	simm.s32 $0x0;
	v12 =	vadd.f32 v13, v12;
	v13 =	vmul.f32 v16, v4;
	v5 =	vmul.f32 v8, v4;
	v8 =	vld [tilespmem:s6+$0xFFFFFFC0];
	[tilespmem:s4+$0xFFFFFFE0] =	vst v17;
	s6 =	sadd.s32 $0x400, s6  }
.LBB2_7:
0xf7: {  	v14 =	vld [tilespmem:s6+$0x30];
	v7 =	vmul.f32 v7, v3;
	s20 =	sadd.s32 $0x400, s20  }
0xf8: {  	s5 =	sadd.s32 $0x8, s5;
	v15 =	vld [tilespmem:s20+$0x30];
	[tilespmem:s4+$0xFFFFFFF0] =	vst v12;
	v11 =	vadd.f32 v13, v11;
	v6 =	vmul.f32 v6, v4  }
0xf9: {  	p0 =	slt.u32 s5, $0x38;
	v12 =	vld [tilespmem:s20+$0xFFFFFFC0];
	v9 =	vmul.f32 v9, v3  }
0xfa: {  	v13 =	vld [tilespmem:s6+$0xFFFFFFD0];
	[tilespmem:s4+$0x0] =	vst v11;
	v6 =	vadd.f32 v6, v7;
	v7 =	vmul.f32 v10, v4  }
0xfb: {  	v10 =	vld [tilespmem:s20+$0xFFFFFFD0];
	v8 =	vmul.f32 v8, v3  }
0xfc: {  	v11 =	vld [tilespmem:s6+$0xFFFFFFE0];
	[tilespmem:s4+$0x10] =	vst v6;
	v6 =	vadd.f32 v7, v9  }
0xfd: {  	v9 =	vmul.f32 v14, v3;
	v7 =	vld [tilespmem:s20+$0xFFFFFFE0];
	v14 =	vmul.f32 v15, v4;
	v8 =	vadd.f32 v5, v8  }
0xfe: {  	v5 =	vmul.f32 v12, v4;
	v12 =	vld [tilespmem:s6+$0xFFFFFFF0];
	[tilespmem:s4+$0x20] =	vst v6  }
0xff: {  	v6 =	vmul.f32 v13, v3;
	v13 =	vld [tilespmem:s20+$0xFFFFFFF0];
	v9 =	vadd.f32 v14, v9;
	[tilespmem:s4+$0xFFFFFFC0] =	vst v8  }
0x100: {  	s4 =	sadd.s32 $0x400, s4;
	v8 =	vmul.f32 v10, v4;
	v10 =	vld [tilespmem:s6+$0x0]  }
0x101: {  	v11 =	vmul.f32 v11, v3;
	v14 =	vld [tilespmem:s20+$0x0];
	[tilespmem:s4+$0x30] =	vst v9  }
.Ltmp2:
0x102: {  	v8 =	vadd.f32 v8, v6;
	v9 =	vmul.f32 v7, v4;
	v7 =	vld [tilespmem:s6+$0x10];
	(pc) =	sbr.rel @p0 .LBB2_7-.Ltmp2, $4  }
0x103: {  	v12 =	vmul.f32 v12, v3;
	v6 =	vld [tilespmem:s20+$0x10]  }
0x104: {  	[tilespmem:s4+$0xFFFFFFD0] =	vst v8;
	v15 =	vadd.f32 v9, v11;
	v13 =	vmul.f32 v13, v4;
	v9 =	vld [tilespmem:s6+$0x20]  }
0x105: {  	v11 =	vmul.f32 v10, v3;
	v10 =	vld [tilespmem:s20+$0x20]  }
0x106: {  	v8 =	vld [tilespmem:s6+$0xFFFFFFC0];
	[tilespmem:s4+$0xFFFFFFE0] =	vst v15;
	v12 =	vadd.f32 v13, v12;
	v13 =	vmul.f32 v14, v4;
	s6 =	sadd.s32 $0x400, s6  }
0x107: {  	_ =	sdelay $0x1  }
0x108: {  	v7 =	vmul.f32 v7, v3;
	s19 =	sadd.s32 $0x1, s19;
	v6 =	vmul.f32 v6, v4  }
0x109: {  	v11 =	vadd.f32 v13, v11;
	p0 =	sne.s32 s19, $0x10;
	v9 =	vmul.f32 v9, v3;
	v63 =	vmul.f32 v10, v4  }
.Ltmp3:
0x10a: {  	[tilespmem:s4+$0xFFFFFFF0] =	vst v12;
	v6 =	vadd.f32 v6, v7;
	v3 =	vmul.f32 v8, v3;
	(pc) =	sbr.rel @p0 .LBB2_6-.Ltmp3, $4  }
0x10b: {  	[tilespmem:s4+$0x0] =	vst v11;
	v4 =	vadd.f32 v63, v9  }
0x10c: {  	[tilespmem:s4+$0x10] =	vst v6;
	v3 =	vadd.f32 v5, v3  }
0x10d: {  	[tilespmem:s4+$0x20] =	vst v4  }
0x10e: {  	s18 =	sadd.s32 $0x400, s18;
	s16 =	sadd.s32 $0x1, s16;
	[tilespmem:s4+$0xFFFFFFC0] =	vst v3  }
0x10f: {  	s16 =	simm.s32 $0x0;
	s4 =	rddreg [dreg:$0x7]  }
0x110: {  	[hbm4b:s4+s16] =	stream.linear.scatter [tilespmem:s31], [sflag:$0x2], $0x4000, $0x38;
	[tilespmem:$0x1C100] =	vst v63  }
0x111: {  	v3 =	vld [tilespmem:$0x1C030];
	_ =	sdelay $0x4  }
0x112: {  	v4 =	vshll.u32 v3, $0x3  }
0x113: {  	v3 =	vand.u32 $0x7, v3;
	v4 =	vand.u32 $0xFFFFFFC0, v4  }
0x114: {  	v3 =	vor.u32 v3, v4  }
0x115: {  	v4 =	vperm.xlane v3, v0;
	_ =	sdelay $0x1  }
0x116: {  	v4 =	vadd.s32 v1, v4;
	_ =	sdelay $0x3  }
0x117: {  	s6 =	simm.s32 $0x4000  }
0x118: {  	[tilespmem:s6], [sflag:$0x1] =	stream.indirect_vreg.gather [hbm4b:s3+s16], $0x80, v4, vm0, $0xb8;
	[tilespmem:$0x1C100] =	vst v63  }
0x119: {  	s18 =	simm.s32 $0x4800;
	v3 =	vperm.xlane v3, v2  }
0x11a: {  	[tilespmem:s18], [sflag:$0x1] =	stream.indirect_vreg.gather [hbm4b:s8+s16], $0x80, v4, vm0, $0xb8;
	[tilespmem:$0x1C100] =	vst v63  }
0x11b: {  	s19 =	simm.s32 $0x5000;
	v3 =	vadd.s32 v1, v3  }
0x11c: {  	[tilespmem:s19], [sflag:$0x1] =	stream.indirect_vreg.gather [hbm4b:s9+s16], $0x80, v4, vm0, $0xb8;
	[tilespmem:$0x1C100] =	vst v63  }
0x11d: {  	s20 =	simm.s32 $0x5800  }
0x11e: {  	[tilespmem:s20], [sflag:$0x1] =	stream.indirect_vreg.gather [hbm4b:s10+s16], $0x80, v4, vm0, $0xb8;
	[tilespmem:$0x1C100] =	vst v63  }
0x11f: {  	_ = 	snop  }
0x120: {  	[tilespmem:s7], [sflag:$0x1] =	stream.indirect_vreg.gather [hbm4b:s3+s16], $0x80, v3, vm0, $0xb8;
	[tilespmem:$0x1C100] =	vst v63  }
0x121: {  	_ = 	snop  }
0x122: {  	[tilespmem:s21], [sflag:$0x1] =	stream.indirect_vreg.gather [hbm4b:s8+s16], $0x80, v3, vm0, $0xb8;
	[tilespmem:$0x1C100] =	vst v63  }
0x123: {  	_ = 	snop  }
0x124: {  	[tilespmem:s22], [sflag:$0x1] =	stream.indirect_vreg.gather [hbm4b:s9+s16], $0x80, v3, vm0, $0xb8;
	[tilespmem:$0x1C100] =	vst v63  }
0x125: {  	_ = 	snop  }
0x126: {  	[tilespmem:s23], [sflag:$0x1] =	stream.indirect_vreg.gather [hbm4b:s10+s16], $0x80, v3, vm0, $0xb8;
	[tilespmem:$0x1C100] =	vst v63  }
0x127: {  	v3 =	vld [tilespmem:$0x1C0B0];
	_ =	sdelay $0x4  }
0x128: {  	v63 =	vshll.u32 v3, $0x3  }
0x129: {  	v3 =	vand.u32 $0x7, v3;
	v4 =	vand.u32 $0xFFFFFFC0, v63  }
0x12a: {  	v3 =	vor.u32 v3, v4  }
0x12b: {  	v4 =	vperm.xlane v3, v0;
	_ =	sdelay $0x1  }
0x12c: {  	v4 =	vadd.s32 v1, v4;
	_ =	sdelay $0x4  }
0x12d: {  	[tilespmem:s24], [sflag:$0x1] =	stream.indirect_vreg.gather [hbm4b:s3+s16], $0x80, v4, vm0, $0xb8;
	[tilespmem:$0x1C100] =	vst v63  }
0x12e: {  	v3 =	vperm.xlane v3, v2  }
0x12f: {  	[tilespmem:s12], [sflag:$0x1] =	stream.indirect_vreg.gather [hbm4b:s8+s16], $0x80, v4, vm0, $0xb8;
	[tilespmem:$0x1C100] =	vst v63  }
0x130: {  	v3 =	vadd.s32 v1, v3  }
0x131: {  	[tilespmem:s25], [sflag:$0x1] =	stream.indirect_vreg.gather [hbm4b:s9+s16], $0x80, v4, vm0, $0xb8;
	[tilespmem:$0x1C100] =	vst v63  }
0x132: {  	_ = 	snop  }
0x133: {  	[tilespmem:s13], [sflag:$0x1] =	stream.indirect_vreg.gather [hbm4b:s10+s16], $0x80, v4, vm0, $0xb8;
	[tilespmem:$0x1C100] =	vst v63  }
0x134: {  	_ = 	snop  }
0x135: {  	[tilespmem:s26], [sflag:$0x1] =	stream.indirect_vreg.gather [hbm4b:s3+s16], $0x80, v3, vm0, $0xb8;
	[tilespmem:$0x1C100] =	vst v63  }
0x136: {  	_ = 	snop  }
0x137: {  	[tilespmem:s14], [sflag:$0x1] =	stream.indirect_vreg.gather [hbm4b:s8+s16], $0x80, v3, vm0, $0xb8;
	[tilespmem:$0x1C100] =	vst v63  }
0x138: {  	_ = 	snop  }
0x139: {  	[tilespmem:s28], [sflag:$0x1] =	stream.indirect_vreg.gather [hbm4b:s9+s16], $0x80, v3, vm0, $0xb8;
	[tilespmem:$0x1C100] =	vst v63  }
0x13a: {  	_ = 	snop  }
0x13b: {  	[tilespmem:s15], [sflag:$0x1] =	stream.indirect_vreg.gather [hbm4b:s10+s16], $0x80, v3, vm0, $0xb8;
	[tilespmem:$0x1C100] =	vst v63  }
0x13c: {  	_ =	swait.ge [sflag:s29], $0x4000  }
0x13d: {  	[sflag:s29] =	ssyncset.done $0x0  }
0x13e: {  	[sflag:s29] =	ssyncadd.s32 $0xFFFFC000  }
0x13f: {  	_ =	swait.ge [sflag:s29], $0x4000  }
0x140: {  	[sflag:s29] =	ssyncset.done $0x0  }
0x141: {  	[sflag:s29] =	ssyncadd.s32 $0xFFFFC000  }
0x142: {  	_ =	swait.ge [sflag:s0], $0x4000  }
0x143: {  	[sflag:s0] =	ssyncset.done $0x0  }
0x144: {  	s18 =	simm.s32 $0x0;
	s19 =	simm.s32 $0x0;
	[sflag:s0] =	ssyncadd.s32 $0xFFFFC000  }
.LBB2_10:
0x145: {  	s4 =	sshll.u32 s18, $0x2;
	s5 =	sand.u32 $0x7, s16  }
0x146: {  	s4 =	sand.u32 $0xFFFF8000, s4;
	s5 =	sshll.u32 s5, $0x9  }
0x147: {  	s20 =	sshll.u32 s19, $0x7;
	s4 =	sor.u32 s5, s4  }
0x148: {  	v3 =	vld [tilespmem:s20+$0x19000];
	s4 =	sshrl.u32 s4, $0x2  }
0x149: {  	v4 =	vld [tilespmem:s20+$0x1B000];
	s6 =	sor.u32 $0x40, s4  }
0x14a: {  	s20 =	sadd.s32 $0x8040, s4;
	v5 =	vld [tilespmem:s6+$0x30]  }
0x14b: {  	v6 =	vld [tilespmem:s20+$0x30]  }
0x14c: {  	v8 =	vld [tilespmem:s20+$0xFFFFFFC0]  }
0x14d: {  	v7 =	vld [tilespmem:s6+$0xFFFFFFD0]  }
0x14e: {  	v9 =	vld [tilespmem:s20+$0xFFFFFFD0]  }
0x14f: {  	v10 =	vld [tilespmem:s6+$0xFFFFFFE0]  }
0x150: {  	v11 =	vld [tilespmem:s20+$0xFFFFFFE0]  }
0x151: {  	v12 =	vld [tilespmem:s6+$0xFFFFFFF0]  }
0x152: {  	v13 =	vld [tilespmem:s20+$0xFFFFFFF0]  }
0x153: {  	v14 =	vld [tilespmem:s6+$0x0];
	v5 =	vmul.f32 v5, v3;
	v6 =	vmul.f32 v6, v4  }
0x154: {  	v16 =	vld [tilespmem:s20+$0x0];
	v15 =	vmul.f32 v7, v3;
	v9 =	vmul.f32 v9, v4  }
0x155: {  	v10 =	vmul.f32 v10, v3;
	v11 =	vmul.f32 v11, v4;
	v7 =	vld [tilespmem:s6+$0x10];
	v5 =	vadd.f32 v6, v5  }
0x156: {  	s4 =	sadd.s32 $0x10040, s4;
	v15 =	vadd.f32 v9, v15;
	v6 =	vld [tilespmem:s20+$0x10]  }
0x157: {  	v12 =	vmul.f32 v12, v3;
	v13 =	vmul.f32 v13, v4;
	v17 =	vadd.f32 v11, v10;
	v9 =	vld [tilespmem:s6+$0x20];
	[tilespmem:s4+$0x30] =	vst v5  }
0x158: {  	v10 =	vld [tilespmem:s20+$0x20];
	v11 =	vmul.f32 v14, v3;
	[tilespmem:s4+$0xFFFFFFD0] =	vst v15  }
0x159: {  	s5 =	simm.s32 $0x0;
	v12 =	vadd.f32 v13, v12;
	v13 =	vmul.f32 v16, v4;
	v5 =	vmul.f32 v8, v4;
	v8 =	vld [tilespmem:s6+$0xFFFFFFC0];
	[tilespmem:s4+$0xFFFFFFE0] =	vst v17;
	s6 =	sadd.s32 $0x400, s6  }
.LBB2_11:
0x15a: {  	v14 =	vld [tilespmem:s6+$0x30];
	v7 =	vmul.f32 v7, v3;
	s20 =	sadd.s32 $0x400, s20  }
0x15b: {  	s5 =	sadd.s32 $0x8, s5;
	v15 =	vld [tilespmem:s20+$0x30];
	[tilespmem:s4+$0xFFFFFFF0] =	vst v12;
	v11 =	vadd.f32 v13, v11;
	v6 =	vmul.f32 v6, v4  }
0x15c: {  	p0 =	slt.u32 s5, $0x38;
	v12 =	vld [tilespmem:s20+$0xFFFFFFC0];
	v9 =	vmul.f32 v9, v3  }
0x15d: {  	v13 =	vld [tilespmem:s6+$0xFFFFFFD0];
	[tilespmem:s4+$0x0] =	vst v11;
	v6 =	vadd.f32 v6, v7;
	v7 =	vmul.f32 v10, v4  }
0x15e: {  	v10 =	vld [tilespmem:s20+$0xFFFFFFD0];
	v8 =	vmul.f32 v8, v3  }
0x15f: {  	v11 =	vld [tilespmem:s6+$0xFFFFFFE0];
	[tilespmem:s4+$0x10] =	vst v6;
	v6 =	vadd.f32 v7, v9  }
0x160: {  	v9 =	vmul.f32 v14, v3;
	v7 =	vld [tilespmem:s20+$0xFFFFFFE0];
	v14 =	vmul.f32 v15, v4;
	v8 =	vadd.f32 v5, v8  }
0x161: {  	v5 =	vmul.f32 v12, v4;
	v12 =	vld [tilespmem:s6+$0xFFFFFFF0];
	[tilespmem:s4+$0x20] =	vst v6  }
0x162: {  	v6 =	vmul.f32 v13, v3;
	v13 =	vld [tilespmem:s20+$0xFFFFFFF0];
	v9 =	vadd.f32 v14, v9;
	[tilespmem:s4+$0xFFFFFFC0] =	vst v8  }
0x163: {  	s4 =	sadd.s32 $0x400, s4;
	v8 =	vmul.f32 v10, v4;
	v10 =	vld [tilespmem:s6+$0x0]  }
0x164: {  	v11 =	vmul.f32 v11, v3;
	v14 =	vld [tilespmem:s20+$0x0];
	[tilespmem:s4+$0x30] =	vst v9  }
.Ltmp4:
0x165: {  	v8 =	vadd.f32 v8, v6;
	v9 =	vmul.f32 v7, v4;
	v7 =	vld [tilespmem:s6+$0x10];
	(pc) =	sbr.rel @p0 .LBB2_11-.Ltmp4, $4  }
0x166: {  	v12 =	vmul.f32 v12, v3;
	v6 =	vld [tilespmem:s20+$0x10]  }
0x167: {  	[tilespmem:s4+$0xFFFFFFD0] =	vst v8;
	v15 =	vadd.f32 v9, v11;
	v13 =	vmul.f32 v13, v4;
	v9 =	vld [tilespmem:s6+$0x20]  }
0x168: {  	v11 =	vmul.f32 v10, v3;
	v10 =	vld [tilespmem:s20+$0x20]  }
0x169: {  	v8 =	vld [tilespmem:s6+$0xFFFFFFC0];
	[tilespmem:s4+$0xFFFFFFE0] =	vst v15;
	v12 =	vadd.f32 v13, v12;
	v13 =	vmul.f32 v14, v4;
	s6 =	sadd.s32 $0x400, s6  }
0x16a: {  	_ =	sdelay $0x1  }
0x16b: {  	v7 =	vmul.f32 v7, v3;
	s19 =	sadd.s32 $0x1, s19;
	v6 =	vmul.f32 v6, v4  }
0x16c: {  	v11 =	vadd.f32 v13, v11;
	p0 =	sne.s32 s19, $0x10;
	v9 =	vmul.f32 v9, v3;
	v63 =	vmul.f32 v10, v4  }
.Ltmp5:
0x16d: {  	[tilespmem:s4+$0xFFFFFFF0] =	vst v12;
	v6 =	vadd.f32 v6, v7;
	v3 =	vmul.f32 v8, v3;
	(pc) =	sbr.rel @p0 .LBB2_10-.Ltmp5, $4  }
0x16e: {  	[tilespmem:s4+$0x0] =	vst v11;
	v4 =	vadd.f32 v63, v9  }
0x16f: {  	[tilespmem:s4+$0x10] =	vst v6;
	v3 =	vadd.f32 v5, v3  }
0x170: {  	[tilespmem:s4+$0x20] =	vst v4  }
0x171: {  	s18 =	sadd.s32 $0x400, s18;
	s16 =	sadd.s32 $0x1, s16;
	[tilespmem:s4+$0xFFFFFFC0] =	vst v3  }
0x172: {  	s16 =	simm.s32 $0x0;
	s4 =	rddreg [dreg:$0x8]  }
0x173: {  	[hbm4b:s4+s16] =	stream.linear.scatter [tilespmem:s30], [sflag:$0x2], $0x4000, $0x38;
	[tilespmem:$0x1C100] =	vst v63  }
0x174: {  	_ =	swait.ge [sflag:s29], $0x4000  }
0x175: {  	[sflag:s29] =	ssyncset.done $0x0  }
0x176: {  	[sflag:s29] =	ssyncadd.s32 $0xFFFFC000  }
0x177: {  	_ =	swait.ge [sflag:s29], $0x4000  }
0x178: {  	[sflag:s29] =	ssyncset.done $0x0  }
0x179: {  	[sflag:s29] =	ssyncadd.s32 $0xFFFFC000  }
0x17a: {  	_ =	swait.ge [sflag:s0], $0x4000  }
0x17b: {  	[sflag:s0] =	ssyncset.done $0x0  }
0x17c: {  	s18 =	simm.s32 $0x0;
	s19 =	simm.s32 $0x0;
	[sflag:s0] =	ssyncadd.s32 $0xFFFFC000  }
.LBB2_14:
0x17d: {  	s4 =	sshll.u32 s18, $0x2;
	s5 =	sand.u32 $0x7, s16  }
0x17e: {  	s4 =	sand.u32 $0xFFFF8000, s4;
	s5 =	sshll.u32 s5, $0x9  }
0x17f: {  	s20 =	sshll.u32 s19, $0x7;
	s4 =	sor.u32 s5, s4  }
0x180: {  	v3 =	vld [tilespmem:s20+$0x19800];
	s4 =	sshrl.u32 s4, $0x2  }
0x181: {  	v4 =	vld [tilespmem:s20+$0x1B800];
	s6 =	sadd.s32 $0x4040, s4  }
0x182: {  	s20 =	sadd.s32 $0xC040, s4;
	v5 =	vld [tilespmem:s6+$0x30]  }
0x183: {  	v6 =	vld [tilespmem:s20+$0x30]  }
0x184: {  	v8 =	vld [tilespmem:s20+$0xFFFFFFC0]  }
0x185: {  	v7 =	vld [tilespmem:s6+$0xFFFFFFD0]  }
0x186: {  	v9 =	vld [tilespmem:s20+$0xFFFFFFD0]  }
0x187: {  	v10 =	vld [tilespmem:s6+$0xFFFFFFE0]  }
0x188: {  	v11 =	vld [tilespmem:s20+$0xFFFFFFE0]  }
0x189: {  	v12 =	vld [tilespmem:s6+$0xFFFFFFF0]  }
0x18a: {  	v13 =	vld [tilespmem:s20+$0xFFFFFFF0]  }
0x18b: {  	v14 =	vld [tilespmem:s6+$0x0];
	v5 =	vmul.f32 v5, v3;
	v6 =	vmul.f32 v6, v4  }
0x18c: {  	v16 =	vld [tilespmem:s20+$0x0];
	v15 =	vmul.f32 v7, v3;
	v9 =	vmul.f32 v9, v4  }
0x18d: {  	v10 =	vmul.f32 v10, v3;
	v11 =	vmul.f32 v11, v4;
	v7 =	vld [tilespmem:s6+$0x10];
	v5 =	vadd.f32 v6, v5  }
0x18e: {  	s4 =	sadd.s32 $0x14040, s4;
	v15 =	vadd.f32 v9, v15;
	v6 =	vld [tilespmem:s20+$0x10]  }
0x18f: {  	v12 =	vmul.f32 v12, v3;
	v13 =	vmul.f32 v13, v4;
	v17 =	vadd.f32 v11, v10;
	v9 =	vld [tilespmem:s6+$0x20];
	[tilespmem:s4+$0x30] =	vst v5  }
0x190: {  	v10 =	vld [tilespmem:s20+$0x20];
	v11 =	vmul.f32 v14, v3;
	[tilespmem:s4+$0xFFFFFFD0] =	vst v15  }
0x191: {  	s5 =	simm.s32 $0x0;
	v12 =	vadd.f32 v13, v12;
	v13 =	vmul.f32 v16, v4;
	v5 =	vmul.f32 v8, v4;
	v8 =	vld [tilespmem:s6+$0xFFFFFFC0];
	[tilespmem:s4+$0xFFFFFFE0] =	vst v17;
	s6 =	sadd.s32 $0x400, s6  }
.LBB2_15:
0x192: {  	v14 =	vld [tilespmem:s6+$0x30];
	v7 =	vmul.f32 v7, v3;
	s20 =	sadd.s32 $0x400, s20  }
0x193: {  	s5 =	sadd.s32 $0x8, s5;
	v15 =	vld [tilespmem:s20+$0x30];
	[tilespmem:s4+$0xFFFFFFF0] =	vst v12;
	v11 =	vadd.f32 v13, v11;
	v6 =	vmul.f32 v6, v4  }
0x194: {  	p0 =	slt.u32 s5, $0x38;
	v12 =	vld [tilespmem:s20+$0xFFFFFFC0];
	v9 =	vmul.f32 v9, v3  }
0x195: {  	v13 =	vld [tilespmem:s6+$0xFFFFFFD0];
	[tilespmem:s4+$0x0] =	vst v11;
	v6 =	vadd.f32 v6, v7;
	v7 =	vmul.f32 v10, v4  }
0x196: {  	v10 =	vld [tilespmem:s20+$0xFFFFFFD0];
	v8 =	vmul.f32 v8, v3  }
0x197: {  	v11 =	vld [tilespmem:s6+$0xFFFFFFE0];
	[tilespmem:s4+$0x10] =	vst v6;
	v6 =	vadd.f32 v7, v9  }
0x198: {  	v9 =	vmul.f32 v14, v3;
	v7 =	vld [tilespmem:s20+$0xFFFFFFE0];
	v14 =	vmul.f32 v15, v4;
	v8 =	vadd.f32 v5, v8  }
0x199: {  	v5 =	vmul.f32 v12, v4;
	v12 =	vld [tilespmem:s6+$0xFFFFFFF0];
	[tilespmem:s4+$0x20] =	vst v6  }
0x19a: {  	v6 =	vmul.f32 v13, v3;
	v13 =	vld [tilespmem:s20+$0xFFFFFFF0];
	v9 =	vadd.f32 v14, v9;
	[tilespmem:s4+$0xFFFFFFC0] =	vst v8  }
0x19b: {  	s4 =	sadd.s32 $0x400, s4;
	v8 =	vmul.f32 v10, v4;
	v10 =	vld [tilespmem:s6+$0x0]  }
0x19c: {  	v11 =	vmul.f32 v11, v3;
	v14 =	vld [tilespmem:s20+$0x0];
	[tilespmem:s4+$0x30] =	vst v9  }
.Ltmp6:
0x19d: {  	v8 =	vadd.f32 v8, v6;
	v9 =	vmul.f32 v7, v4;
	v7 =	vld [tilespmem:s6+$0x10];
	(pc) =	sbr.rel @p0 .LBB2_15-.Ltmp6, $4  }
0x19e: {  	v12 =	vmul.f32 v12, v3;
	v6 =	vld [tilespmem:s20+$0x10]  }
0x19f: {  	[tilespmem:s4+$0xFFFFFFD0] =	vst v8;
	v15 =	vadd.f32 v9, v11;
	v13 =	vmul.f32 v13, v4;
	v9 =	vld [tilespmem:s6+$0x20]  }
0x1a0: {  	v11 =	vmul.f32 v10, v3;
	v10 =	vld [tilespmem:s20+$0x20]  }
0x1a1: {  	v8 =	vld [tilespmem:s6+$0xFFFFFFC0];
	[tilespmem:s4+$0xFFFFFFE0] =	vst v15;
	v12 =	vadd.f32 v13, v12;
	v13 =	vmul.f32 v14, v4;
	s6 =	sadd.s32 $0x400, s6  }
0x1a2: {  	_ =	sdelay $0x1  }
0x1a3: {  	v7 =	vmul.f32 v7, v3;
	s19 =	sadd.s32 $0x1, s19;
	v6 =	vmul.f32 v6, v4  }
0x1a4: {  	v11 =	vadd.f32 v13, v11;
	p0 =	sne.s32 s19, $0x10;
	v9 =	vmul.f32 v9, v3;
	v63 =	vmul.f32 v10, v4  }
.Ltmp7:
0x1a5: {  	[tilespmem:s4+$0xFFFFFFF0] =	vst v12;
	v6 =	vadd.f32 v6, v7;
	v3 =	vmul.f32 v8, v3;
	(pc) =	sbr.rel @p0 .LBB2_14-.Ltmp7, $4  }
0x1a6: {  	[tilespmem:s4+$0x0] =	vst v11;
	v4 =	vadd.f32 v63, v9  }
0x1a7: {  	[tilespmem:s4+$0x10] =	vst v6;
	v3 =	vadd.f32 v5, v3  }
0x1a8: {  	[tilespmem:s4+$0x20] =	vst v4  }
0x1a9: {  	s18 =	sadd.s32 $0x400, s18;
	s16 =	sadd.s32 $0x1, s16;
	[tilespmem:s4+$0xFFFFFFC0] =	vst v3  }
0x1aa: {  	s4 =	rddreg [dreg:$0x9]  }
0x1ab: {  	[hbm4b:s4+s2] =	stream.linear.scatter [tilespmem:s31], [sflag:$0x2], $0x4000, $0x38;
	[tilespmem:$0x1C100] =	vst v63  }
0x1ac: {  	_ =	swait.ge [sflag:s0], $0x4000  }
0x1ad: {  	[sflag:s0] =	ssyncset.done $0x0  }
0x1ae: {  	[sflag:s0] =	ssyncadd.s32 $0xFFFFC000  }
0x1af: {  	_ =	swait.ge [sflag:s0], $0x4000  }
0x1b0: {  	s1 =	sadd.s32 $0x1, s1;
	s20 =	rddreg [dreg:$0xa]  }
0x1b1: {  	p0 =	sne.s32 s1, s20  }
.Ltmp8:
0x1b2: {  	_ = 	snop;
	(pc) =	sbr.rel @p0 .LBB2_1-.Ltmp8, $3  }
0x1b3: {  	_ =	sdelay $0x1  }
0x1b4: {  	[sflag:s0] =	ssyncset.done $0x0  }
0x1b5: {  	[sflag:s0] =	ssyncadd.s32 $0xFFFFC000  }
0x1b6: {  	_ =	sfence.sel $0x180000  }
0x1b7: {  	[bflag:$0x0] =	sbarrier.arrive $0xFFFF  }
0x1b8: {  	_ =	strace $0x9000004A  }
0x1b9: {  	s0 =	stileid.u32;
	[bflag:$0x2] =	sbarrier.arrive $0xFFFF  }
0x1ba: {  	p0 =	sne.s32 s0, $0x0;
	s0 =	rddreg [dreg:$0x2]  }
0x1bb: {  	s0 =	sadd.s32 @!p0 $0x100000, s0  }
0x1bc: {  	[sflag:s0] =	ssyncadd.tile.s32 @!p0 $0x1;
	_ =	shalt  }
.Lfunc_end2:
_tile_overlayer_lowered:
.L_overlay_start_2:
0x1bd: {  	(tag) =	ssettag $0x2  }
0x1be: {  	s0 =	rddreg [dreg:$0x0];
	s2 =	stileid.u32  }
0x1bf: {  	s1 =	rddreg [dreg:$0x1];
	p0 =	sne.s32 s2, $0x0  }
0x1c0: {  	s3 =	rddreg [dreg:$0x2];
	[bflag:$0x3] =	sbarrier.arrive $0xFFFF;
	s2 =	simm.s32 @!p0 $0x1C03  }
0x1c1: {  	[timem:s3], [sflag:s2] =	dma.local @!p0 [hbm:s0], s1  }
0x1c2: {  	s0 =	simm.s32 @!p0 $0x3  }
0x1c3: {  	_ =	swait.ge @!p0 [sflag:s0], s1  }
0x1c4: {  	s1 =	ssub.s32 @!p0 $0x0, s1;
	[sflag:s0] =	ssyncset.done @!p0 $0x0  }
0x1c5: {  	[sflag:s0] =	ssyncadd.s32 @!p0 s1  }
0x1c6: {  	[bflag:$0x3] =	sbarrier.arrive $0xFFFF  }
0x1c7: {  	_ =	shalt  }

</sc_bundles>
